<compile_context>
chip_gen: v7x
topology: tpu7x:2x2x1
jax: 0.10.2.dev20260603
libtpu: 0.0.44.dev20260713+nightly
codegen_flags: <defaults>
</compile_context>

<pallas_src>
import functools

import jax
import jax.numpy as jnp
from jax import lax
from jax.experimental import pallas as pl
from jax.experimental.pallas import tpu as pltpu
from jax.experimental.pallas import tpu_sc as plsc

B, C, D, H, W = 4, 128, 2, 200, 176
HW = H * W
PC = HW // 128
NSLOT = B * D * HW
NVOX = 60000

NTEC = 32
SLOTS_PER = NSLOT // NTEC
IDXCHUNK = 6000
NCHUNKS = NVOX // IDXCHUNK
NVREG_I = IDXCHUNK // 16
ST_VREGS = SLOTS_PER // 16
DMACH = (SLOTS_PER + 127) // 128
LISTROWS = DMACH + 1
APAD = NSLOT + 128


def _sc_body(feat_hbm, lin_hbm, a_hbm, sv_hbm,
             ib0, ib1, st, ids2d, slots2d, rb0, rb1,
             sem_i0, sem_i1, sem_g0, sem_g1, sem_s0, sem_s1):
    cid = lax.axis_index("c")
    sid = lax.axis_index("s")
    wid = sid * 2 + cid
    base = wid * SLOTS_PER
    iota = lax.iota(jnp.int32, 16)

    def init_st(j, carry):
        st[pl.ds(j * 16, 16)] = jnp.full((16,), -1, jnp.int32)
        return carry
    lax.fori_loop(0, ST_VREGS, init_st, 0)

    def scan_chunk(ci, idxbuf):
        def vreg_body(j, carry2):
            for u in range(3):
                lin = idxbuf[pl.ds((j * 3 + u) * 16, 16)]
                m = (lin >= base) & (lin < base + SLOTS_PER)
                loc = lin - base
                ids = ci * IDXCHUNK + (j * 3 + u) * 16 + iota
                _, lastm = plsc.scan_count(loc, m)
                plsc.store_scatter(st, [loc], ids, mask=lastm)
            return carry2

        lax.fori_loop(0, NVREG_I // 3, vreg_body, 0)

    def stage(ci, ib, sem):
        return pltpu.make_async_copy(
            lin_hbm.at[pl.ds(ci * IDXCHUNK, IDXCHUNK)], ib, sem)

    stage(0, ib0, sem_i0).start()
    for half in range(NCHUNKS // 2):
        k0, k1 = 2 * half, 2 * half + 1
        stage(k0, ib0, sem_i0).wait()
        stage(k1, ib1, sem_i1).start()
        scan_chunk(k0, ib0)
        stage(k1, ib1, sem_i1).wait()
        if k1 + 1 < NCHUNKS:
            stage(k1 + 1, ib0, sem_i0).start()
        scan_chunk(k1, ib1)

    pltpu.sync_copy(st, sv_hbm.at[pl.ds(base, SLOTS_PER)])

    def comp_body(j, cntvec):
        vals = st[pl.ds(j * 16, 16)]
        m = vals >= 0
        mi = m.astype(jnp.int32)
        pos = cntvec + plsc.cumsum(mi) - mi
        slots = base + j * 16 + iota
        plsc.store_scatter(ids2d, [pos >> 7, pos & 127], vals, mask=m)
        plsc.store_scatter(slots2d, [pos >> 7, pos & 127], slots, mask=m)
        return cntvec + plsc.all_reduce_population_count(m)

    cntvec = lax.fori_loop(0, ST_VREGS, comp_body,
                           jnp.zeros((16,), jnp.int32))

    def pad_body(j, carry):
        offs = cntvec + j * 16 + iota
        plsc.store_scatter(ids2d, [offs >> 7, offs & 127],
                           jnp.zeros((16,), jnp.int32))
        plsc.store_scatter(slots2d, [offs >> 7, offs & 127],
                           NSLOT + (offs - cntvec))
        return carry
    lax.fori_loop(0, 8, pad_body, 0)

    def gat(k, rb, sem):
        return pltpu.make_async_copy(feat_hbm.at[ids2d.at[k]], rb, sem)

    def sca(k, rb, sem):
        return pltpu.make_async_copy(rb, a_hbm.at[slots2d.at[k]], sem)

    def active(k):
        return jnp.any(cntvec > k * 128)

    def pump(kk, carry):
        k0 = kk * 2
        k1 = k0 + 1

        @pl.when(active(k0))
        def _():
            @pl.when(kk > 0)
            def _():
                sca(k0, rb0, sem_s0).wait()
            gat(k0, rb0, sem_g0).start()

        @pl.when(active(k1))
        def _():
            @pl.when(kk > 0)
            def _():
                sca(k1, rb1, sem_s1).wait()
            gat(k1, rb1, sem_g1).start()

        @pl.when(active(k0))
        def _():
            gat(k0, rb0, sem_g0).wait()
            sca(k0, rb0, sem_s0).start()

        @pl.when(active(k1))
        def _():
            gat(k1, rb1, sem_g1).wait()
            sca(k1, rb1, sem_s1).start()

        return carry

    lax.fori_loop(0, (DMACH + 1) // 2, pump, 0)

    @pl.when(active(0))
    def _():
        sca(0, rb0, sem_s0).wait()

    @pl.when(active(1))
    def _():
        sca(1, rb1, sem_s1).wait()


@jax.jit
def _sc_scatter(feat, lin):
    mesh = plsc.VectorSubcoreMesh(core_axis_name="c", subcore_axis_name="s")
    return pl.kernel(
        _sc_body,
        mesh=mesh,
        compiler_params=pltpu.CompilerParams(needs_layout_passes=False),
        out_type=[
            jax.ShapeDtypeStruct((APAD, C), jnp.float32),
            jax.ShapeDtypeStruct((NSLOT,), jnp.int32),
        ],
        scratch_types=[
            pltpu.VMEM((IDXCHUNK,), jnp.int32),
            pltpu.VMEM((IDXCHUNK,), jnp.int32),
            pltpu.VMEM((SLOTS_PER,), jnp.int32),
            pltpu.VMEM((LISTROWS, 128), jnp.int32),
            pltpu.VMEM((LISTROWS, 128), jnp.int32),
            pltpu.VMEM((128, C), jnp.float32),
            pltpu.VMEM((128, C), jnp.float32),
            pltpu.SemaphoreType.DMA,
            pltpu.SemaphoreType.DMA,
            pltpu.SemaphoreType.DMA,
            pltpu.SemaphoreType.DMA,
            pltpu.SemaphoreType.DMA,
            pltpu.SemaphoreType.DMA,
        ],
    )(feat, lin)


CH = 11
NP = CH * 128
NPC = PC // CH


def _tc_body(a0, a1, s0, s1, out_ref):
    s0t = s0[:, 0, :].T
    s1t = s1[:, 0, :].T
    r = lax.broadcasted_iota(jnp.int32, (2 * C, 2 * C), 0)
    j = lax.broadcasted_iota(jnp.int32, (2 * C, 2 * C), 1)
    perm = (j == 2 * (r % C) + (r // C)).astype(jnp.float32)
    for ch in range(CH):
        sl = slice(ch * 128, (ch + 1) * 128)
        rows0 = a0[sl, :]
        rows1 = a1[sl, :]
        m0 = s0t[:, ch:ch + 1] >= 0
        m1 = s1t[:, ch:ch + 1] >= 0
        g0 = jnp.where(m0 & jnp.isfinite(rows0), rows0, 0.0)
        g1 = jnp.where(m1 & jnp.isfinite(rows1), rows1, 0.0)
        cat = jnp.concatenate([g0, g1], axis=1)
        outr = lax.dot_general(cat, perm, (((1,), (0,)), ((), ())),
                               preferred_element_type=jnp.float32)
        out_ref[0, sl, :] = outr


@jax.jit
def _tc_pack(a, sv3):
    return pl.pallas_call(
        _tc_body,
        grid=(B, NPC),
        in_specs=[
            pl.BlockSpec((NP, 128), lambda b, p: (b * 2 * NPC + p, 0)),
            pl.BlockSpec((NP, 128), lambda b, p: (b * 2 * NPC + NPC + p, 0)),
            pl.BlockSpec((CH, 1, 128), lambda b, p: (b * 2 * NPC + p, 0, 0)),
            pl.BlockSpec((CH, 1, 128),
                         lambda b, p: (b * 2 * NPC + NPC + p, 0, 0)),
        ],
        out_specs=pl.BlockSpec((1, NP, 2 * C), lambda b, p: (b, p, 0)),
        out_shape=jax.ShapeDtypeStruct((B, HW, 2 * C), jnp.float32),
    )(a, a, sv3, sv3)


def kernel(voxel_features, voxel_lin_idx):
    lin = voxel_lin_idx.astype(jnp.int32)
    a, sv = _sc_scatter(voxel_features, lin)
    out = _tc_pack(a, sv.reshape(B * D * PC, 1, 128))
    return out.reshape(B, H, W, C * D).transpose(0, 3, 1, 2)

# --- scband reference (transcript-rebuilt; emitter-appended) ---
"""Pipeline reference for scband-height-compression-85005992722785 (READ-ONLY COPY).

The authoritative reference and input builder live on the scoring server;
editing this copy changes nothing except your own understanding.
"""

import jax, jax.numpy as jnp
import numpy as np

# HeightCompression (OpenPCDet): densify a sparse voxel tensor of shape
# (B, C, D, H, W) from (voxel_features, voxel_coords), then fold the height
# dimension D into channels -> (B, C*D, H, W).
# Config: batch_size B=4, C=128 sparse channels, grid_size=[176,200,2] so
# sparse_shape (D,H,W) = (2,200,176); NUM_BEV_FEATURES = C*D = 256.
# We represent voxel_coords as a flat linear index into the B*D*H*W grid
# (equivalent to unique (b,z,y,x) coords as produced by spconv).

B, C, D, H, W = 4, 128, 2, 200, 176
N_VOX = 60000

def setup_inputs(seed: int = 0) -> dict:
    key = jax.random.key(seed)
    k1, k2 = jax.random.split(key)
    voxel_features = jax.random.normal(k1, (N_VOX, C), dtype=jnp.float32)
    voxel_lin_idx = jax.random.randint(k2, (N_VOX,), 0, B * D * H * W, dtype=jnp.int64) if jax.config.jax_enable_x64 else jax.random.randint(k2, (N_VOX,), 0, B * D * H * W, dtype=jnp.int32)
    return {"voxel_features": voxel_features, "voxel_lin_idx": voxel_lin_idx}

def reference(voxel_features, voxel_lin_idx):
    # spconv SparseConvTensor(...).dense(): scatter-overwrite features into a
    # zero dense grid at the given coordinates.
    dense_flat = jnp.zeros((B * D * H * W, C), dtype=voxel_features.dtype)
    dense_flat = dense_flat.at[voxel_lin_idx].set(voxel_features)
    # (B, D, H, W, C) -> (N, C, D, H, W)
    dense = dense_flat.reshape(B, D, H, W, C).transpose(0, 4, 1, 2, 3)
    # HeightCompression: view(N, C*D, H, W)
    spatial_features = dense.reshape(B, C * D, H, W)
    return spatial_features

if __name__ == "__main__":
    import jax
    _d = setup_inputs()
    print(jax.jit(kernel)(*tuple(_d.values())))

</pallas_src>

<mosaic_0001>
#map = affine_map<(d0, d1) -> (0, 0)>
#map1 = affine_map<(d0, d1) -> (0)>
module attributes {stable_mosaic.version = 14 : i64} {
  func.func @_sc_body(%arg0: i32, %arg1: i32, %arg2: memref<60000x128xf32, #tpu.memory_space<hbm>>, %arg3: memref<60000xi32, #tpu.memory_space<hbm>>, %arg4: memref<281728x128xf32, #tpu.memory_space<hbm>>, %arg5: memref<281600xi32, #tpu.memory_space<hbm>>, %arg6: memref<6000xi32, #tpu.memory_space<vmem>>, %arg7: memref<6000xi32, #tpu.memory_space<vmem>>, %arg8: memref<8800xi32, #tpu.memory_space<vmem>>, %arg9: memref<70x128xi32, #tpu.memory_space<vmem>>, %arg10: memref<70x128xi32, #tpu.memory_space<vmem>>, %arg11: memref<128x128xf32, #tpu.memory_space<vmem>>, %arg12: memref<128x128xf32, #tpu.memory_space<vmem>>, %arg13: memref<!tpu.dma_semaphore, #tpu.memory_space<semaphore_mem>>, %arg14: memref<!tpu.dma_semaphore, #tpu.memory_space<semaphore_mem>>, %arg15: memref<!tpu.dma_semaphore, #tpu.memory_space<semaphore_mem>>, %arg16: memref<!tpu.dma_semaphore, #tpu.memory_space<semaphore_mem>>, %arg17: memref<!tpu.dma_semaphore, #tpu.memory_space<semaphore_mem>>, %arg18: memref<!tpu.dma_semaphore, #tpu.memory_space<semaphore_mem>>) attributes {dimension_semantics = [#tpu.dimension_semantics<core_parallel>, #tpu.dimension_semantics<subcore_parallel>], iteration_bounds = array<i64: 2, 16>, scalar_prefetch = 0 : i64, scratch_operands = 13 : i64, tpu.core_type = #tpu.core_type<sc_vector_subcore>, window_params = [{transform_indices = #map}, {transform_indices = #map1}, {transform_indices = #map}, {transform_indices = #map1}]} {
    %mul3A = arith.constant 2 : i32
    %mul3A_0 = arith.muli %arg1, %mul3A : i32
    %add3A = arith.addi %mul3A_0, %arg0 : i32
    %mul3A_1 = arith.constant 8800 : i32
    %mul3A_2 = arith.muli %add3A, %mul3A_1 : i32
    %iota3A = tpu.iota {dimensions = array<i32: 0>} : vector<16xi32>
    %scan3A = arith.constant 0 : i32
    %scan3A_3 = arith.constant 0 : i32
    %scan3A_4 = arith.constant 550 : i32
    %scan3A_5 = arith.addi %scan3A_3, %scan3A_4 : i32
    %scan3A_6 = arith.constant 1 : i32
    scf.for %scan3A_195 = %scan3A_3 to %scan3A_5 step %scan3A_6  : i32 {
      %broadcast_in_dim3A_196 = arith.constant -1 : i32
      %broadcast_in_dim3A_197 = vector.broadcast %broadcast_in_dim3A_196 : i32 to vector<16xi32>
      %mul3A_198 = arith.constant 16 : i32
      %mul3A_199 = arith.muli %scan3A_195, %mul3A_198 : i32
      %swap3A = arith.index_cast %mul3A_199 : i32 to index
      %swap3A_200 = tpu.vector_load %arg8[%swap3A] {strides = array<i32>} : memref<8800xi32, #tpu.memory_space<vmem>>, vector<16xi32>,
      tpu.vector_store %arg8[%swap3A], %broadcast_in_dim3A_197 {strides = array<i32>} : memref<8800xi32, #tpu.memory_space<vmem>>, vector<16xi32>,
    }
    %scan3A_7 = arith.constant 550 : i32
    %dma_start3A = arith.constant 0 : i32
    %dma_start3A_8 = tpu.memref_slice %arg3[%dma_start3A] : memref<60000xi32, #tpu.memory_space<hbm>> -> memref<6000xi32, #tpu.memory_space<hbm>>
    %dma_start3A_9 = arith.constant 0 : i32
    %dma_start3A_10 = tpu.memref_slice %arg3[%dma_start3A_9] : memref<60000xi32, #tpu.memory_space<hbm>> -> memref<6000xi32, #tpu.memory_space<hbm>>
    tpu.enqueue_dma source(%dma_start3A_10 : memref<6000xi32, #tpu.memory_space<hbm>>) target(%arg6 : memref<6000xi32, #tpu.memory_space<vmem>>) target_semaphore(%arg13 : memref<!tpu.dma_semaphore, #tpu.memory_space<semaphore_mem>>)
    %dma_wait3A = arith.constant 0 : i32
    %dma_wait3A_11 = tpu.memref_slice %arg3[%dma_wait3A] : memref<60000xi32, #tpu.memory_space<hbm>> -> memref<6000xi32, #tpu.memory_space<hbm>>
    %dma_wait3A_12 = arith.constant 0 : i32
    %dma_wait3A_13 = tpu.memref_slice %arg3[%dma_wait3A_12] : memref<60000xi32, #tpu.memory_space<hbm>> -> memref<6000xi32, #tpu.memory_space<hbm>>
    tpu.wait_dma2 semaphore(%arg13 : memref<!tpu.dma_semaphore, #tpu.memory_space<semaphore_mem>>) src(%dma_wait3A_13 : memref<6000xi32, #tpu.memory_space<hbm>>) dst(%arg6 : memref<6000xi32, #tpu.memory_space<vmem>>)
    %dma_start3A_14 = arith.constant 6000 : i32
    %dma_start3A_15 = tpu.memref_slice %arg3[%dma_start3A_14] : memref<60000xi32, #tpu.memory_space<hbm>> -> memref<6000xi32, #tpu.memory_space<hbm>>
    %dma_start3A_16 = arith.constant 6000 : i32
    %dma_start3A_17 = tpu.memref_slice %arg3[%dma_start3A_16] : memref<60000xi32, #tpu.memory_space<hbm>> -> memref<6000xi32, #tpu.memory_space<hbm>>
    tpu.enqueue_dma source(%dma_start3A_17 : memref<6000xi32, #tpu.memory_space<hbm>>) target(%arg7 : memref<6000xi32, #tpu.memory_space<vmem>>) target_semaphore(%arg14 : memref<!tpu.dma_semaphore, #tpu.memory_space<semaphore_mem>>)
    %scan3A_18 = arith.constant 0 : i32
    %scan3A_19 = arith.constant 0 : i32
    %scan3A_20 = arith.constant 125 : i32
    %scan3A_21 = arith.addi %scan3A_19, %scan3A_20 : i32
    %scan3A_22 = arith.constant 1 : i32
    scf.for %scan3A_195 = %scan3A_19 to %scan3A_21 step %scan3A_22  : i32 {
      %mul3A_196 = arith.constant 3 : i32
      %mul3A_197 = arith.muli %scan3A_195, %mul3A_196 : i32
      %add3A_198 = arith.constant 0 : i32
      %add3A_199 = arith.addi %mul3A_197, %add3A_198 : i32
      %mul3A_200 = arith.constant 16 : i32
      %mul3A_201 = arith.muli %add3A_199, %mul3A_200 : i32
      %get3A = arith.index_cast %mul3A_201 : i32 to index
      %get3A_202 = tpu.vector_load %arg6[%get3A] {strides = array<i32>} : memref<6000xi32, #tpu.memory_space<vmem>>, vector<16xi32>,
      %ge3A = vector.broadcast %mul3A_2 : i32 to vector<16xi32>
      %ge3A_203 = arith.cmpi sge, %get3A_202, %ge3A : vector<16xi32>
      %add3A_204 = arith.constant 8800 : i32
      %add3A_205 = arith.addi %mul3A_2, %add3A_204 : i32
      %lt3A = vector.broadcast %add3A_205 : i32 to vector<16xi32>
      %lt3A_206 = arith.cmpi slt, %get3A_202, %lt3A : vector<16xi32>
      %and3A = arith.andi %ge3A_203, %lt3A_206 : vector<16xi1>
      %sub3A = vector.broadcast %mul3A_2 : i32 to vector<16xi32>
      %sub3A_207 = arith.subi %get3A_202, %sub3A : vector<16xi32>
      %mul3A_208 = arith.constant 3 : i32
      %mul3A_209 = arith.muli %scan3A_195, %mul3A_208 : i32
      %add3A_210 = arith.constant 0 : i32
      %add3A_211 = arith.addi %mul3A_209, %add3A_210 : i32
      %mul3A_212 = arith.constant 16 : i32
      %mul3A_213 = arith.muli %add3A_211, %mul3A_212 : i32
      %add3A_214 = arith.constant 0 : i32
      %add3A_215 = arith.addi %add3A_214, %mul3A_213 : i32
      %add3A_216 = vector.broadcast %add3A_215 : i32 to vector<16xi32>
      %add3A_217 = arith.addi %add3A_216, %iota3A : vector<16xi32>
      %unique3A, %unique3A_218 = tpu.scan_count mask(%and3A : vector<16xi1>) value(%sub3A_207 : vector<16xi32>) : vector<16xi1>, vector<16xi32>
      tpu.vector_store_idx %arg8[%sub3A_207], %add3A_217 masked %unique3A : memref<8800xi32, #tpu.memory_space<vmem>>[vector<16xi32>], vector<16xi32>, vector<16xi1>
      %mul3A_219 = arith.constant 3 : i32
      %mul3A_220 = arith.muli %scan3A_195, %mul3A_219 : i32
      %add3A_221 = arith.constant 1 : i32
      %add3A_222 = arith.addi %mul3A_220, %add3A_221 : i32
      %mul3A_223 = arith.constant 16 : i32
      %mul3A_224 = arith.muli %add3A_222, %mul3A_223 : i32
      %get3A_225 = arith.index_cast %mul3A_224 : i32 to index
      %get3A_226 = tpu.vector_load %arg6[%get3A_225] {strides = array<i32>} : memref<6000xi32, #tpu.memory_space<vmem>>, vector<16xi32>,
      %ge3A_227 = vector.broadcast %mul3A_2 : i32 to vector<16xi32>
      %ge3A_228 = arith.cmpi sge, %get3A_226, %ge3A_227 : vector<16xi32>
      %add3A_229 = arith.constant 8800 : i32
      %add3A_230 = arith.addi %mul3A_2, %add3A_229 : i32
      %lt3A_231 = vector.broadcast %add3A_230 : i32 to vector<16xi32>
      %lt3A_232 = arith.cmpi slt, %get3A_226, %lt3A_231 : vector<16xi32>
      %and3A_233 = arith.andi %ge3A_228, %lt3A_232 : vector<16xi1>
      %sub3A_234 = vector.broadcast %mul3A_2 : i32 to vector<16xi32>
      %sub3A_235 = arith.subi %get3A_226, %sub3A_234 : vector<16xi32>
      %mul3A_236 = arith.constant 3 : i32
      %mul3A_237 = arith.muli %scan3A_195, %mul3A_236 : i32
      %add3A_238 = arith.constant 1 : i32
      %add3A_239 = arith.addi %mul3A_237, %add3A_238 : i32
      %mul3A_240 = arith.constant 16 : i32
      %mul3A_241 = arith.muli %add3A_239, %mul3A_240 : i32
      %add3A_242 = arith.constant 0 : i32
      %add3A_243 = arith.addi %add3A_242, %mul3A_241 : i32
      %add3A_244 = vector.broadcast %add3A_243 : i32 to vector<16xi32>
      %add3A_245 = arith.addi %add3A_244, %iota3A : vector<16xi32>
      %unique3A_246, %unique3A_247 = tpu.scan_count mask(%and3A_233 : vector<16xi1>) value(%sub3A_235 : vector<16xi32>) : vector<16xi1>, vector<16xi32>
      tpu.vector_store_idx %arg8[%sub3A_235], %add3A_245 masked %unique3A_246 : memref<8800xi32, #tpu.memory_space<vmem>>[vector<16xi32>], vector<16xi32>, vector<16xi1>
      %mul3A_248 = arith.constant 3 : i32
      %mul3A_249 = arith.muli %scan3A_195, %mul3A_248 : i32
      %add3A_250 = arith.constant 2 : i32
      %add3A_251 = arith.addi %mul3A_249, %add3A_250 : i32
      %mul3A_252 = arith.constant 16 : i32
      %mul3A_253 = arith.muli %add3A_251, %mul3A_252 : i32
      %get3A_254 = arith.index_cast %mul3A_253 : i32 to index
      %get3A_255 = tpu.vector_load %arg6[%get3A_254] {strides = array<i32>} : memref<6000xi32, #tpu.memory_space<vmem>>, vector<16xi32>,
      %ge3A_256 = vector.broadcast %mul3A_2 : i32 to vector<16xi32>
      %ge3A_257 = arith.cmpi sge, %get3A_255, %ge3A_256 : vector<16xi32>
      %add3A_258 = arith.constant 8800 : i32
      %add3A_259 = arith.addi %mul3A_2, %add3A_258 : i32
      %lt3A_260 = vector.broadcast %add3A_259 : i32 to vector<16xi32>
      %lt3A_261 = arith.cmpi slt, %get3A_255, %lt3A_260 : vector<16xi32>
      %and3A_262 = arith.andi %ge3A_257, %lt3A_261 : vector<16xi1>
      %sub3A_263 = vector.broadcast %mul3A_2 : i32 to vector<16xi32>
      %sub3A_264 = arith.subi %get3A_255, %sub3A_263 : vector<16xi32>
      %mul3A_265 = arith.constant 3 : i32
      %mul3A_266 = arith.muli %scan3A_195, %mul3A_265 : i32
      %add3A_267 = arith.constant 2 : i32
      %add3A_268 = arith.addi %mul3A_266, %add3A_267 : i32
      %mul3A_269 = arith.constant 16 : i32
      %mul3A_270 = arith.muli %add3A_268, %mul3A_269 : i32
      %add3A_271 = arith.constant 0 : i32
      %add3A_272 = arith.addi %add3A_271, %mul3A_270 : i32
      %add3A_273 = vector.broadcast %add3A_272 : i32 to vector<16xi32>
      %add3A_274 = arith.addi %add3A_273, %iota3A : vector<16xi32>
      %unique3A_275, %unique3A_276 = tpu.scan_count mask(%and3A_262 : vector<16xi1>) value(%sub3A_264 : vector<16xi32>) : vector<16xi1>, vector<16xi32>
      tpu.vector_store_idx %arg8[%sub3A_264], %add3A_274 masked %unique3A_275 : memref<8800xi32, #tpu.memory_space<vmem>>[vector<16xi32>], vector<16xi32>, vector<16xi1>
    }
    %scan3A_23 = arith.constant 125 : i32
    %dma_wait3A_24 = arith.constant 6000 : i32
    %dma_wait3A_25 = tpu.memref_slice %arg3[%dma_wait3A_24] : memref<60000xi32, #tpu.memory_space<hbm>> -> memref<6000xi32, #tpu.memory_space<hbm>>
    %dma_wait3A_26 = arith.constant 6000 : i32
    %dma_wait3A_27 = tpu.memref_slice %arg3[%dma_wait3A_26] : memref<60000xi32, #tpu.memory_space<hbm>> -> memref<6000xi32, #tpu.memory_space<hbm>>
    tpu.wait_dma2 semaphore(%arg14 : memref<!tpu.dma_semaphore, #tpu.memory_space<semaphore_mem>>) src(%dma_wait3A_27 : memref<6000xi32, #tpu.memory_space<hbm>>) dst(%arg7 : memref<6000xi32, #tpu.memory_space<vmem>>)
    %dma_start3A_28 = arith.constant 12000 : i32
    %dma_start3A_29 = tpu.memref_slice %arg3[%dma_start3A_28] : memref<60000xi32, #tpu.memory_space<hbm>> -> memref<6000xi32, #tpu.memory_space<hbm>>
    %dma_start3A_30 = arith.constant 12000 : i32
    %dma_start3A_31 = tpu.memref_slice %arg3[%dma_start3A_30] : memref<60000xi32, #tpu.memory_space<hbm>> -> memref<6000xi32, #tpu.memory_space<hbm>>
    tpu.enqueue_dma source(%dma_start3A_31 : memref<6000xi32, #tpu.memory_space<hbm>>) target(%arg6 : memref<6000xi32, #tpu.memory_space<vmem>>) target_semaphore(%arg13 : memref<!tpu.dma_semaphore, #tpu.memory_space<semaphore_mem>>)
    %scan3A_32 = arith.constant 0 : i32
    %scan3A_33 = arith.constant 0 : i32
    %scan3A_34 = arith.constant 125 : i32
    %scan3A_35 = arith.addi %scan3A_33, %scan3A_34 : i32
    %scan3A_36 = arith.constant 1 : i32
    scf.for %scan3A_195 = %scan3A_33 to %scan3A_35 step %scan3A_36  : i32 {
      %mul3A_196 = arith.constant 3 : i32
      %mul3A_197 = arith.muli %scan3A_195, %mul3A_196 : i32
      %add3A_198 = arith.constant 0 : i32
      %add3A_199 = arith.addi %mul3A_197, %add3A_198 : i32
      %mul3A_200 = arith.constant 16 : i32
      %mul3A_201 = arith.muli %add3A_199, %mul3A_200 : i32
      %get3A = arith.index_cast %mul3A_201 : i32 to index
      %get3A_202 = tpu.vector_load %arg7[%get3A] {strides = array<i32>} : memref<6000xi32, #tpu.memory_space<vmem>>, vector<16xi32>,
      %ge3A = vector.broadcast %mul3A_2 : i32 to vector<16xi32>
      %ge3A_203 = arith.cmpi sge, %get3A_202, %ge3A : vector<16xi32>
      %add3A_204 = arith.constant 8800 : i32
      %add3A_205 = arith.addi %mul3A_2, %add3A_204 : i32
      %lt3A = vector.broadcast %add3A_205 : i32 to vector<16xi32>
      %lt3A_206 = arith.cmpi slt, %get3A_202, %lt3A : vector<16xi32>
      %and3A = arith.andi %ge3A_203, %lt3A_206 : vector<16xi1>
      %sub3A = vector.broadcast %mul3A_2 : i32 to vector<16xi32>
      %sub3A_207 = arith.subi %get3A_202, %sub3A : vector<16xi32>
      %mul3A_208 = arith.constant 3 : i32
      %mul3A_209 = arith.muli %scan3A_195, %mul3A_208 : i32
      %add3A_210 = arith.constant 0 : i32
      %add3A_211 = arith.addi %mul3A_209, %add3A_210 : i32
      %mul3A_212 = arith.constant 16 : i32
      %mul3A_213 = arith.muli %add3A_211, %mul3A_212 : i32
      %add3A_214 = arith.constant 6000 : i32
      %add3A_215 = arith.addi %add3A_214, %mul3A_213 : i32
      %add3A_216 = vector.broadcast %add3A_215 : i32 to vector<16xi32>
      %add3A_217 = arith.addi %add3A_216, %iota3A : vector<16xi32>
      %unique3A, %unique3A_218 = tpu.scan_count mask(%and3A : vector<16xi1>) value(%sub3A_207 : vector<16xi32>) : vector<16xi1>, vector<16xi32>
      tpu.vector_store_idx %arg8[%sub3A_207], %add3A_217 masked %unique3A : memref<8800xi32, #tpu.memory_space<vmem>>[vector<16xi32>], vector<16xi32>, vector<16xi1>
      %mul3A_219 = arith.constant 3 : i32
      %mul3A_220 = arith.muli %scan3A_195, %mul3A_219 : i32
      %add3A_221 = arith.constant 1 : i32
      %add3A_222 = arith.addi %mul3A_220, %add3A_221 : i32
      %mul3A_223 = arith.constant 16 : i32
      %mul3A_224 = arith.muli %add3A_222, %mul3A_223 : i32
      %get3A_225 = arith.index_cast %mul3A_224 : i32 to index
      %get3A_226 = tpu.vector_load %arg7[%get3A_225] {strides = array<i32>} : memref<6000xi32, #tpu.memory_space<vmem>>, vector<16xi32>,
      %ge3A_227 = vector.broadcast %mul3A_2 : i32 to vector<16xi32>
      %ge3A_228 = arith.cmpi sge, %get3A_226, %ge3A_227 : vector<16xi32>
      %add3A_229 = arith.constant 8800 : i32
      %add3A_230 = arith.addi %mul3A_2, %add3A_229 : i32
      %lt3A_231 = vector.broadcast %add3A_230 : i32 to vector<16xi32>
      %lt3A_232 = arith.cmpi slt, %get3A_226, %lt3A_231 : vector<16xi32>
      %and3A_233 = arith.andi %ge3A_228, %lt3A_232 : vector<16xi1>
      %sub3A_234 = vector.broadcast %mul3A_2 : i32 to vector<16xi32>
      %sub3A_235 = arith.subi %get3A_226, %sub3A_234 : vector<16xi32>
      %mul3A_236 = arith.constant 3 : i32
      %mul3A_237 = arith.muli %scan3A_195, %mul3A_236 : i32
      %add3A_238 = arith.constant 1 : i32
      %add3A_239 = arith.addi %mul3A_237, %add3A_238 : i32
      %mul3A_240 = arith.constant 16 : i32
      %mul3A_241 = arith.muli %add3A_239, %mul3A_240 : i32
      %add3A_242 = arith.constant 6000 : i32
      %add3A_243 = arith.addi %add3A_242, %mul3A_241 : i32
      %add3A_244 = vector.broadcast %add3A_243 : i32 to vector<16xi32>
      %add3A_245 = arith.addi %add3A_244, %iota3A : vector<16xi32>
      %unique3A_246, %unique3A_247 = tpu.scan_count mask(%and3A_233 : vector<16xi1>) value(%sub3A_235 : vector<16xi32>) : vector<16xi1>, vector<16xi32>
      tpu.vector_store_idx %arg8[%sub3A_235], %add3A_245 masked %unique3A_246 : memref<8800xi32, #tpu.memory_space<vmem>>[vector<16xi32>], vector<16xi32>, vector<16xi1>
      %mul3A_248 = arith.constant 3 : i32
      %mul3A_249 = arith.muli %scan3A_195, %mul3A_248 : i32
      %add3A_250 = arith.constant 2 : i32
      %add3A_251 = arith.addi %mul3A_249, %add3A_250 : i32
      %mul3A_252 = arith.constant 16 : i32
      %mul3A_253 = arith.muli %add3A_251, %mul3A_252 : i32
      %get3A_254 = arith.index_cast %mul3A_253 : i32 to index
      %get3A_255 = tpu.vector_load %arg7[%get3A_254] {strides = array<i32>} : memref<6000xi32, #tpu.memory_space<vmem>>, vector<16xi32>,
      %ge3A_256 = vector.broadcast %mul3A_2 : i32 to vector<16xi32>
      %ge3A_257 = arith.cmpi sge, %get3A_255, %ge3A_256 : vector<16xi32>
      %add3A_258 = arith.constant 8800 : i32
      %add3A_259 = arith.addi %mul3A_2, %add3A_258 : i32
      %lt3A_260 = vector.broadcast %add3A_259 : i32 to vector<16xi32>
      %lt3A_261 = arith.cmpi slt, %get3A_255, %lt3A_260 : vector<16xi32>
      %and3A_262 = arith.andi %ge3A_257, %lt3A_261 : vector<16xi1>
      %sub3A_263 = vector.broadcast %mul3A_2 : i32 to vector<16xi32>
      %sub3A_264 = arith.subi %get3A_255, %sub3A_263 : vector<16xi32>
      %mul3A_265 = arith.constant 3 : i32
      %mul3A_266 = arith.muli %scan3A_195, %mul3A_265 : i32
      %add3A_267 = arith.constant 2 : i32
      %add3A_268 = arith.addi %mul3A_266, %add3A_267 : i32
      %mul3A_269 = arith.constant 16 : i32
      %mul3A_270 = arith.muli %add3A_268, %mul3A_269 : i32
      %add3A_271 = arith.constant 6000 : i32
      %add3A_272 = arith.addi %add3A_271, %mul3A_270 : i32
      %add3A_273 = vector.broadcast %add3A_272 : i32 to vector<16xi32>
      %add3A_274 = arith.addi %add3A_273, %iota3A : vector<16xi32>
      %unique3A_275, %unique3A_276 = tpu.scan_count mask(%and3A_262 : vector<16xi1>) value(%sub3A_264 : vector<16xi32>) : vector<16xi1>, vector<16xi32>
      tpu.vector_store_idx %arg8[%sub3A_264], %add3A_274 masked %unique3A_275 : memref<8800xi32, #tpu.memory_space<vmem>>[vector<16xi32>], vector<16xi32>, vector<16xi1>
    }
    %scan3A_37 = arith.constant 125 : i32
    %dma_wait3A_38 = arith.constant 12000 : i32
    %dma_wait3A_39 = tpu.memref_slice %arg3[%dma_wait3A_38] : memref<60000xi32, #tpu.memory_space<hbm>> -> memref<6000xi32, #tpu.memory_space<hbm>>
    %dma_wait3A_40 = arith.constant 12000 : i32
    %dma_wait3A_41 = tpu.memref_slice %arg3[%dma_wait3A_40] : memref<60000xi32, #tpu.memory_space<hbm>> -> memref<6000xi32, #tpu.memory_space<hbm>>
    tpu.wait_dma2 semaphore(%arg13 : memref<!tpu.dma_semaphore, #tpu.memory_space<semaphore_mem>>) src(%dma_wait3A_41 : memref<6000xi32, #tpu.memory_space<hbm>>) dst(%arg6 : memref<6000xi32, #tpu.memory_space<vmem>>)
    %dma_start3A_42 = arith.constant 18000 : i32
    %dma_start3A_43 = tpu.memref_slice %arg3[%dma_start3A_42] : memref<60000xi32, #tpu.memory_space<hbm>> -> memref<6000xi32, #tpu.memory_space<hbm>>
    %dma_start3A_44 = arith.constant 18000 : i32
    %dma_start3A_45 = tpu.memref_slice %arg3[%dma_start3A_44] : memref<60000xi32, #tpu.memory_space<hbm>> -> memref<6000xi32, #tpu.memory_space<hbm>>
    tpu.enqueue_dma source(%dma_start3A_45 : memref<6000xi32, #tpu.memory_space<hbm>>) target(%arg7 : memref<6000xi32, #tpu.memory_space<vmem>>) target_semaphore(%arg14 : memref<!tpu.dma_semaphore, #tpu.memory_space<semaphore_mem>>)
    %scan3A_46 = arith.constant 0 : i32
    %scan3A_47 = arith.constant 0 : i32
    %scan3A_48 = arith.constant 125 : i32
    %scan3A_49 = arith.addi %scan3A_47, %scan3A_48 : i32
    %scan3A_50 = arith.constant 1 : i32
    scf.for %scan3A_195 = %scan3A_47 to %scan3A_49 step %scan3A_50  : i32 {
      %mul3A_196 = arith.constant 3 : i32
      %mul3A_197 = arith.muli %scan3A_195, %mul3A_196 : i32
      %add3A_198 = arith.constant 0 : i32
      %add3A_199 = arith.addi %mul3A_197, %add3A_198 : i32
      %mul3A_200 = arith.constant 16 : i32
      %mul3A_201 = arith.muli %add3A_199, %mul3A_200 : i32
      %get3A = arith.index_cast %mul3A_201 : i32 to index
      %get3A_202 = tpu.vector_load %arg6[%get3A] {strides = array<i32>} : memref<6000xi32, #tpu.memory_space<vmem>>, vector<16xi32>,
      %ge3A = vector.broadcast %mul3A_2 : i32 to vector<16xi32>
      %ge3A_203 = arith.cmpi sge, %get3A_202, %ge3A : vector<16xi32>
      %add3A_204 = arith.constant 8800 : i32
      %add3A_205 = arith.addi %mul3A_2, %add3A_204 : i32
      %lt3A = vector.broadcast %add3A_205 : i32 to vector<16xi32>
      %lt3A_206 = arith.cmpi slt, %get3A_202, %lt3A : vector<16xi32>
      %and3A = arith.andi %ge3A_203, %lt3A_206 : vector<16xi1>
      %sub3A = vector.broadcast %mul3A_2 : i32 to vector<16xi32>
      %sub3A_207 = arith.subi %get3A_202, %sub3A : vector<16xi32>
      %mul3A_208 = arith.constant 3 : i32
      %mul3A_209 = arith.muli %scan3A_195, %mul3A_208 : i32
      %add3A_210 = arith.constant 0 : i32
      %add3A_211 = arith.addi %mul3A_209, %add3A_210 : i32
      %mul3A_212 = arith.constant 16 : i32
      %mul3A_213 = arith.muli %add3A_211, %mul3A_212 : i32
      %add3A_214 = arith.constant 12000 : i32
      %add3A_215 = arith.addi %add3A_214, %mul3A_213 : i32
      %add3A_216 = vector.broadcast %add3A_215 : i32 to vector<16xi32>
      %add3A_217 = arith.addi %add3A_216, %iota3A : vector<16xi32>
      %unique3A, %unique3A_218 = tpu.scan_count mask(%and3A : vector<16xi1>) value(%sub3A_207 : vector<16xi32>) : vector<16xi1>, vector<16xi32>
      tpu.vector_store_idx %arg8[%sub3A_207], %add3A_217 masked %unique3A : memref<8800xi32, #tpu.memory_space<vmem>>[vector<16xi32>], vector<16xi32>, vector<16xi1>
      %mul3A_219 = arith.constant 3 : i32
      %mul3A_220 = arith.muli %scan3A_195, %mul3A_219 : i32
      %add3A_221 = arith.constant 1 : i32
      %add3A_222 = arith.addi %mul3A_220, %add3A_221 : i32
      %mul3A_223 = arith.constant 16 : i32
      %mul3A_224 = arith.muli %add3A_222, %mul3A_223 : i32
      %get3A_225 = arith.index_cast %mul3A_224 : i32 to index
      %get3A_226 = tpu.vector_load %arg6[%get3A_225] {strides = array<i32>} : memref<6000xi32, #tpu.memory_space<vmem>>, vector<16xi32>,
      %ge3A_227 = vector.broadcast %mul3A_2 : i32 to vector<16xi32>
      %ge3A_228 = arith.cmpi sge, %get3A_226, %ge3A_227 : vector<16xi32>
      %add3A_229 = arith.constant 8800 : i32
      %add3A_230 = arith.addi %mul3A_2, %add3A_229 : i32
      %lt3A_231 = vector.broadcast %add3A_230 : i32 to vector<16xi32>
      %lt3A_232 = arith.cmpi slt, %get3A_226, %lt3A_231 : vector<16xi32>
      %and3A_233 = arith.andi %ge3A_228, %lt3A_232 : vector<16xi1>
      %sub3A_234 = vector.broadcast %mul3A_2 : i32 to vector<16xi32>
      %sub3A_235 = arith.subi %get3A_226, %sub3A_234 : vector<16xi32>
      %mul3A_236 = arith.constant 3 : i32
      %mul3A_237 = arith.muli %scan3A_195, %mul3A_236 : i32
      %add3A_238 = arith.constant 1 : i32
      %add3A_239 = arith.addi %mul3A_237, %add3A_238 : i32
      %mul3A_240 = arith.constant 16 : i32
      %mul3A_241 = arith.muli %add3A_239, %mul3A_240 : i32
      %add3A_242 = arith.constant 12000 : i32
      %add3A_243 = arith.addi %add3A_242, %mul3A_241 : i32
      %add3A_244 = vector.broadcast %add3A_243 : i32 to vector<16xi32>
      %add3A_245 = arith.addi %add3A_244, %iota3A : vector<16xi32>
      %unique3A_246, %unique3A_247 = tpu.scan_count mask(%and3A_233 : vector<16xi1>) value(%sub3A_235 : vector<16xi32>) : vector<16xi1>, vector<16xi32>
      tpu.vector_store_idx %arg8[%sub3A_235], %add3A_245 masked %unique3A_246 : memref<8800xi32, #tpu.memory_space<vmem>>[vector<16xi32>], vector<16xi32>, vector<16xi1>
      %mul3A_248 = arith.constant 3 : i32
      %mul3A_249 = arith.muli %scan3A_195, %mul3A_248 : i32
      %add3A_250 = arith.constant 2 : i32
      %add3A_251 = arith.addi %mul3A_249, %add3A_250 : i32
      %mul3A_252 = arith.constant 16 : i32
      %mul3A_253 = arith.muli %add3A_251, %mul3A_252 : i32
      %get3A_254 = arith.index_cast %mul3A_253 : i32 to index
      %get3A_255 = tpu.vector_load %arg6[%get3A_254] {strides = array<i32>} : memref<6000xi32, #tpu.memory_space<vmem>>, vector<16xi32>,
      %ge3A_256 = vector.broadcast %mul3A_2 : i32 to vector<16xi32>
      %ge3A_257 = arith.cmpi sge, %get3A_255, %ge3A_256 : vector<16xi32>
      %add3A_258 = arith.constant 8800 : i32
      %add3A_259 = arith.addi %mul3A_2, %add3A_258 : i32
      %lt3A_260 = vector.broadcast %add3A_259 : i32 to vector<16xi32>
      %lt3A_261 = arith.cmpi slt, %get3A_255, %lt3A_260 : vector<16xi32>
      %and3A_262 = arith.andi %ge3A_257, %lt3A_261 : vector<16xi1>
      %sub3A_263 = vector.broadcast %mul3A_2 : i32 to vector<16xi32>
      %sub3A_264 = arith.subi %get3A_255, %sub3A_263 : vector<16xi32>
      %mul3A_265 = arith.constant 3 : i32
      %mul3A_266 = arith.muli %scan3A_195, %mul3A_265 : i32
      %add3A_267 = arith.constant 2 : i32
      %add3A_268 = arith.addi %mul3A_266, %add3A_267 : i32
      %mul3A_269 = arith.constant 16 : i32
      %mul3A_270 = arith.muli %add3A_268, %mul3A_269 : i32
      %add3A_271 = arith.constant 12000 : i32
      %add3A_272 = arith.addi %add3A_271, %mul3A_270 : i32
      %add3A_273 = vector.broadcast %add3A_272 : i32 to vector<16xi32>
      %add3A_274 = arith.addi %add3A_273, %iota3A : vector<16xi32>
      %unique3A_275, %unique3A_276 = tpu.scan_count mask(%and3A_262 : vector<16xi1>) value(%sub3A_264 : vector<16xi32>) : vector<16xi1>, vector<16xi32>
      tpu.vector_store_idx %arg8[%sub3A_264], %add3A_274 masked %unique3A_275 : memref<8800xi32, #tpu.memory_space<vmem>>[vector<16xi32>], vector<16xi32>, vector<16xi1>
    }
    %scan3A_51 = arith.constant 125 : i32
    %dma_wait3A_52 = arith.constant 18000 : i32
    %dma_wait3A_53 = tpu.memref_slice %arg3[%dma_wait3A_52] : memref<60000xi32, #tpu.memory_space<hbm>> -> memref<6000xi32, #tpu.memory_space<hbm>>
    %dma_wait3A_54 = arith.constant 18000 : i32
    %dma_wait3A_55 = tpu.memref_slice %arg3[%dma_wait3A_54] : memref<60000xi32, #tpu.memory_space<hbm>> -> memref<6000xi32, #tpu.memory_space<hbm>>
    tpu.wait_dma2 semaphore(%arg14 : memref<!tpu.dma_semaphore, #tpu.memory_space<semaphore_mem>>) src(%dma_wait3A_55 : memref<6000xi32, #tpu.memory_space<hbm>>) dst(%arg7 : memref<6000xi32, #tpu.memory_space<vmem>>)
    %dma_start3A_56 = arith.constant 24000 : i32
    %dma_start3A_57 = tpu.memref_slice %arg3[%dma_start3A_56] : memref<60000xi32, #tpu.memory_space<hbm>> -> memref<6000xi32, #tpu.memory_space<hbm>>
    %dma_start3A_58 = arith.constant 24000 : i32
    %dma_start3A_59 = tpu.memref_slice %arg3[%dma_start3A_58] : memref<60000xi32, #tpu.memory_space<hbm>> -> memref<6000xi32, #tpu.memory_space<hbm>>
    tpu.enqueue_dma source(%dma_start3A_59 : memref<6000xi32, #tpu.memory_space<hbm>>) target(%arg6 : memref<6000xi32, #tpu.memory_space<vmem>>) target_semaphore(%arg13 : memref<!tpu.dma_semaphore, #tpu.memory_space<semaphore_mem>>)
    %scan3A_60 = arith.constant 0 : i32
    %scan3A_61 = arith.constant 0 : i32
    %scan3A_62 = arith.constant 125 : i32
    %scan3A_63 = arith.addi %scan3A_61, %scan3A_62 : i32
    %scan3A_64 = arith.constant 1 : i32
    scf.for %scan3A_195 = %scan3A_61 to %scan3A_63 step %scan3A_64  : i32 {
      %mul3A_196 = arith.constant 3 : i32
      %mul3A_197 = arith.muli %scan3A_195, %mul3A_196 : i32
      %add3A_198 = arith.constant 0 : i32
      %add3A_199 = arith.addi %mul3A_197, %add3A_198 : i32
      %mul3A_200 = arith.constant 16 : i32
      %mul3A_201 = arith.muli %add3A_199, %mul3A_200 : i32
      %get3A = arith.index_cast %mul3A_201 : i32 to index
      %get3A_202 = tpu.vector_load %arg7[%get3A] {strides = array<i32>} : memref<6000xi32, #tpu.memory_space<vmem>>, vector<16xi32>,
      %ge3A = vector.broadcast %mul3A_2 : i32 to vector<16xi32>
      %ge3A_203 = arith.cmpi sge, %get3A_202, %ge3A : vector<16xi32>
      %add3A_204 = arith.constant 8800 : i32
      %add3A_205 = arith.addi %mul3A_2, %add3A_204 : i32
      %lt3A = vector.broadcast %add3A_205 : i32 to vector<16xi32>
      %lt3A_206 = arith.cmpi slt, %get3A_202, %lt3A : vector<16xi32>
      %and3A = arith.andi %ge3A_203, %lt3A_206 : vector<16xi1>
      %sub3A = vector.broadcast %mul3A_2 : i32 to vector<16xi32>
      %sub3A_207 = arith.subi %get3A_202, %sub3A : vector<16xi32>
      %mul3A_208 = arith.constant 3 : i32
      %mul3A_209 = arith.muli %scan3A_195, %mul3A_208 : i32
      %add3A_210 = arith.constant 0 : i32
      %add3A_211 = arith.addi %mul3A_209, %add3A_210 : i32
      %mul3A_212 = arith.constant 16 : i32
      %mul3A_213 = arith.muli %add3A_211, %mul3A_212 : i32
      %add3A_214 = arith.constant 18000 : i32
      %add3A_215 = arith.addi %add3A_214, %mul3A_213 : i32
      %add3A_216 = vector.broadcast %add3A_215 : i32 to vector<16xi32>
      %add3A_217 = arith.addi %add3A_216, %iota3A : vector<16xi32>
      %unique3A, %unique3A_218 = tpu.scan_count mask(%and3A : vector<16xi1>) value(%sub3A_207 : vector<16xi32>) : vector<16xi1>, vector<16xi32>
      tpu.vector_store_idx %arg8[%sub3A_207], %add3A_217 masked %unique3A : memref<8800xi32, #tpu.memory_space<vmem>>[vector<16xi32>], vector<16xi32>, vector<16xi1>
      %mul3A_219 = arith.constant 3 : i32
      %mul3A_220 = arith.muli %scan3A_195, %mul3A_219 : i32
      %add3A_221 = arith.constant 1 : i32
      %add3A_222 = arith.addi %mul3A_220, %add3A_221 : i32
      %mul3A_223 = arith.constant 16 : i32
      %mul3A_224 = arith.muli %add3A_222, %mul3A_223 : i32
      %get3A_225 = arith.index_cast %mul3A_224 : i32 to index
      %get3A_226 = tpu.vector_load %arg7[%get3A_225] {strides = array<i32>} : memref<6000xi32, #tpu.memory_space<vmem>>, vector<16xi32>,
      %ge3A_227 = vector.broadcast %mul3A_2 : i32 to vector<16xi32>
      %ge3A_228 = arith.cmpi sge, %get3A_226, %ge3A_227 : vector<16xi32>
      %add3A_229 = arith.constant 8800 : i32
      %add3A_230 = arith.addi %mul3A_2, %add3A_229 : i32
      %lt3A_231 = vector.broadcast %add3A_230 : i32 to vector<16xi32>
      %lt3A_232 = arith.cmpi slt, %get3A_226, %lt3A_231 : vector<16xi32>
      %and3A_233 = arith.andi %ge3A_228, %lt3A_232 : vector<16xi1>
      %sub3A_234 = vector.broadcast %mul3A_2 : i32 to vector<16xi32>
      %sub3A_235 = arith.subi %get3A_226, %sub3A_234 : vector<16xi32>
      %mul3A_236 = arith.constant 3 : i32
      %mul3A_237 = arith.muli %scan3A_195, %mul3A_236 : i32
      %add3A_238 = arith.constant 1 : i32
      %add3A_239 = arith.addi %mul3A_237, %add3A_238 : i32
      %mul3A_240 = arith.constant 16 : i32
      %mul3A_241 = arith.muli %add3A_239, %mul3A_240 : i32
      %add3A_242 = arith.constant 18000 : i32
      %add3A_243 = arith.addi %add3A_242, %mul3A_241 : i32
      %add3A_244 = vector.broadcast %add3A_243 : i32 to vector<16xi32>
      %add3A_245 = arith.addi %add3A_244, %iota3A : vector<16xi32>
      %unique3A_246, %unique3A_247 = tpu.scan_count mask(%and3A_233 : vector<16xi1>) value(%sub3A_235 : vector<16xi32>) : vector<16xi1>, vector<16xi32>
      tpu.vector_store_idx %arg8[%sub3A_235], %add3A_245 masked %unique3A_246 : memref<8800xi32, #tpu.memory_space<vmem>>[vector<16xi32>], vector<16xi32>, vector<16xi1>
      %mul3A_248 = arith.constant 3 : i32
      %mul3A_249 = arith.muli %scan3A_195, %mul3A_248 : i32
      %add3A_250 = arith.constant 2 : i32
      %add3A_251 = arith.addi %mul3A_249, %add3A_250 : i32
      %mul3A_252 = arith.constant 16 : i32
      %mul3A_253 = arith.muli %add3A_251, %mul3A_252 : i32
      %get3A_254 = arith.index_cast %mul3A_253 : i32 to index
      %get3A_255 = tpu.vector_load %arg7[%get3A_254] {strides = array<i32>} : memref<6000xi32, #tpu.memory_space<vmem>>, vector<16xi32>,
      %ge3A_256 = vector.broadcast %mul3A_2 : i32 to vector<16xi32>
      %ge3A_257 = arith.cmpi sge, %get3A_255, %ge3A_256 : vector<16xi32>
      %add3A_258 = arith.constant 8800 : i32
      %add3A_259 = arith.addi %mul3A_2, %add3A_258 : i32
      %lt3A_260 = vector.broadcast %add3A_259 : i32 to vector<16xi32>
      %lt3A_261 = arith.cmpi slt, %get3A_255, %lt3A_260 : vector<16xi32>
      %and3A_262 = arith.andi %ge3A_257, %lt3A_261 : vector<16xi1>
      %sub3A_263 = vector.broadcast %mul3A_2 : i32 to vector<16xi32>
      %sub3A_264 = arith.subi %get3A_255, %sub3A_263 : vector<16xi32>
      %mul3A_265 = arith.constant 3 : i32
      %mul3A_266 = arith.muli %scan3A_195, %mul3A_265 : i32
      %add3A_267 = arith.constant 2 : i32
      %add3A_268 = arith.addi %mul3A_266, %add3A_267 : i32
      %mul3A_269 = arith.constant 16 : i32
      %mul3A_270 = arith.muli %add3A_268, %mul3A_269 : i32
      %add3A_271 = arith.constant 18000 : i32
      %add3A_272 = arith.addi %add3A_271, %mul3A_270 : i32
      %add3A_273 = vector.broadcast %add3A_272 : i32 to vector<16xi32>
      %add3A_274 = arith.addi %add3A_273, %iota3A : vector<16xi32>
      %unique3A_275, %unique3A_276 = tpu.scan_count mask(%and3A_262 : vector<16xi1>) value(%sub3A_264 : vector<16xi32>) : vector<16xi1>, vector<16xi32>
      tpu.vector_store_idx %arg8[%sub3A_264], %add3A_274 masked %unique3A_275 : memref<8800xi32, #tpu.memory_space<vmem>>[vector<16xi32>], vector<16xi32>, vector<16xi1>
    }
    %scan3A_65 = arith.constant 125 : i32
    %dma_wait3A_66 = arith.constant 24000 : i32
    %dma_wait3A_67 = tpu.memref_slice %arg3[%dma_wait3A_66] : memref<60000xi32, #tpu.memory_space<hbm>> -> memref<6000xi32, #tpu.memory_space<hbm>>
    %dma_wait3A_68 = arith.constant 24000 : i32
    %dma_wait3A_69 = tpu.memref_slice %arg3[%dma_wait3A_68] : memref<60000xi32, #tpu.memory_space<hbm>> -> memref<6000xi32, #tpu.memory_space<hbm>>
    tpu.wait_dma2 semaphore(%arg13 : memref<!tpu.dma_semaphore, #tpu.memory_space<semaphore_mem>>) src(%dma_wait3A_69 : memref<6000xi32, #tpu.memory_space<hbm>>) dst(%arg6 : memref<6000xi32, #tpu.memory_space<vmem>>)
    %dma_start3A_70 = arith.constant 30000 : i32
    %dma_start3A_71 = tpu.memref_slice %arg3[%dma_start3A_70] : memref<60000xi32, #tpu.memory_space<hbm>> -> memref<6000xi32, #tpu.memory_space<hbm>>
    %dma_start3A_72 = arith.constant 30000 : i32
    %dma_start3A_73 = tpu.memref_slice %arg3[%dma_start3A_72] : memref<60000xi32, #tpu.memory_space<hbm>> -> memref<6000xi32, #tpu.memory_space<hbm>>
    tpu.enqueue_dma source(%dma_start3A_73 : memref<6000xi32, #tpu.memory_space<hbm>>) target(%arg7 : memref<6000xi32, #tpu.memory_space<vmem>>) target_semaphore(%arg14 : memref<!tpu.dma_semaphore, #tpu.memory_space<semaphore_mem>>)
    %scan3A_74 = arith.constant 0 : i32
    %scan3A_75 = arith.constant 0 : i32
    %scan3A_76 = arith.constant 125 : i32
    %scan3A_77 = arith.addi %scan3A_75, %scan3A_76 : i32
    %scan3A_78 = arith.constant 1 : i32
    scf.for %scan3A_195 = %scan3A_75 to %scan3A_77 step %scan3A_78  : i32 {
      %mul3A_196 = arith.constant 3 : i32
      %mul3A_197 = arith.muli %scan3A_195, %mul3A_196 : i32
      %add3A_198 = arith.constant 0 : i32
      %add3A_199 = arith.addi %mul3A_197, %add3A_198 : i32
      %mul3A_200 = arith.constant 16 : i32
      %mul3A_201 = arith.muli %add3A_199, %mul3A_200 : i32
      %get3A = arith.index_cast %mul3A_201 : i32 to index
      %get3A_202 = tpu.vector_load %arg6[%get3A] {strides = array<i32>} : memref<6000xi32, #tpu.memory_space<vmem>>, vector<16xi32>,
      %ge3A = vector.broadcast %mul3A_2 : i32 to vector<16xi32>
      %ge3A_203 = arith.cmpi sge, %get3A_202, %ge3A : vector<16xi32>
      %add3A_204 = arith.constant 8800 : i32
      %add3A_205 = arith.addi %mul3A_2, %add3A_204 : i32
      %lt3A = vector.broadcast %add3A_205 : i32 to vector<16xi32>
      %lt3A_206 = arith.cmpi slt, %get3A_202, %lt3A : vector<16xi32>
      %and3A = arith.andi %ge3A_203, %lt3A_206 : vector<16xi1>
      %sub3A = vector.broadcast %mul3A_2 : i32 to vector<16xi32>
      %sub3A_207 = arith.subi %get3A_202, %sub3A : vector<16xi32>
      %mul3A_208 = arith.constant 3 : i32
      %mul3A_209 = arith.muli %scan3A_195, %mul3A_208 : i32
      %add3A_210 = arith.constant 0 : i32
      %add3A_211 = arith.addi %mul3A_209, %add3A_210 : i32
      %mul3A_212 = arith.constant 16 : i32
      %mul3A_213 = arith.muli %add3A_211, %mul3A_212 : i32
      %add3A_214 = arith.constant 24000 : i32
      %add3A_215 = arith.addi %add3A_214, %mul3A_213 : i32
      %add3A_216 = vector.broadcast %add3A_215 : i32 to vector<16xi32>
      %add3A_217 = arith.addi %add3A_216, %iota3A : vector<16xi32>
      %unique3A, %unique3A_218 = tpu.scan_count mask(%and3A : vector<16xi1>) value(%sub3A_207 : vector<16xi32>) : vector<16xi1>, vector<16xi32>
      tpu.vector_store_idx %arg8[%sub3A_207], %add3A_217 masked %unique3A : memref<8800xi32, #tpu.memory_space<vmem>>[vector<16xi32>], vector<16xi32>, vector<16xi1>
      %mul3A_219 = arith.constant 3 : i32
      %mul3A_220 = arith.muli %scan3A_195, %mul3A_219 : i32
      %add3A_221 = arith.constant 1 : i32
      %add3A_222 = arith.addi %mul3A_220, %add3A_221 : i32
      %mul3A_223 = arith.constant 16 : i32
      %mul3A_224 = arith.muli %add3A_222, %mul3A_223 : i32
      %get3A_225 = arith.index_cast %mul3A_224 : i32 to index
      %get3A_226 = tpu.vector_load %arg6[%get3A_225] {strides = array<i32>} : memref<6000xi32, #tpu.memory_space<vmem>>, vector<16xi32>,
      %ge3A_227 = vector.broadcast %mul3A_2 : i32 to vector<16xi32>
      %ge3A_228 = arith.cmpi sge, %get3A_226, %ge3A_227 : vector<16xi32>
      %add3A_229 = arith.constant 8800 : i32
      %add3A_230 = arith.addi %mul3A_2, %add3A_229 : i32
      %lt3A_231 = vector.broadcast %add3A_230 : i32 to vector<16xi32>
      %lt3A_232 = arith.cmpi slt, %get3A_226, %lt3A_231 : vector<16xi32>
      %and3A_233 = arith.andi %ge3A_228, %lt3A_232 : vector<16xi1>
      %sub3A_234 = vector.broadcast %mul3A_2 : i32 to vector<16xi32>
      %sub3A_235 = arith.subi %get3A_226, %sub3A_234 : vector<16xi32>
      %mul3A_236 = arith.constant 3 : i32
      %mul3A_237 = arith.muli %scan3A_195, %mul3A_236 : i32
      %add3A_238 = arith.constant 1 : i32
      %add3A_239 = arith.addi %mul3A_237, %add3A_238 : i32
      %mul3A_240 = arith.constant 16 : i32
      %mul3A_241 = arith.muli %add3A_239, %mul3A_240 : i32
      %add3A_242 = arith.constant 24000 : i32
      %add3A_243 = arith.addi %add3A_242, %mul3A_241 : i32
      %add3A_244 = vector.broadcast %add3A_243 : i32 to vector<16xi32>
      %add3A_245 = arith.addi %add3A_244, %iota3A : vector<16xi32>
      %unique3A_246, %unique3A_247 = tpu.scan_count mask(%and3A_233 : vector<16xi1>) value(%sub3A_235 : vector<16xi32>) : vector<16xi1>, vector<16xi32>
      tpu.vector_store_idx %arg8[%sub3A_235], %add3A_245 masked %unique3A_246 : memref<8800xi32, #tpu.memory_space<vmem>>[vector<16xi32>], vector<16xi32>, vector<16xi1>
      %mul3A_248 = arith.constant 3 : i32
      %mul3A_249 = arith.muli %scan3A_195, %mul3A_248 : i32
      %add3A_250 = arith.constant 2 : i32
      %add3A_251 = arith.addi %mul3A_249, %add3A_250 : i32
      %mul3A_252 = arith.constant 16 : i32
      %mul3A_253 = arith.muli %add3A_251, %mul3A_252 : i32
      %get3A_254 = arith.index_cast %mul3A_253 : i32 to index
      %get3A_255 = tpu.vector_load %arg6[%get3A_254] {strides = array<i32>} : memref<6000xi32, #tpu.memory_space<vmem>>, vector<16xi32>,
      %ge3A_256 = vector.broadcast %mul3A_2 : i32 to vector<16xi32>
      %ge3A_257 = arith.cmpi sge, %get3A_255, %ge3A_256 : vector<16xi32>
      %add3A_258 = arith.constant 8800 : i32
      %add3A_259 = arith.addi %mul3A_2, %add3A_258 : i32
      %lt3A_260 = vector.broadcast %add3A_259 : i32 to vector<16xi32>
      %lt3A_261 = arith.cmpi slt, %get3A_255, %lt3A_260 : vector<16xi32>
      %and3A_262 = arith.andi %ge3A_257, %lt3A_261 : vector<16xi1>
      %sub3A_263 = vector.broadcast %mul3A_2 : i32 to vector<16xi32>
      %sub3A_264 = arith.subi %get3A_255, %sub3A_263 : vector<16xi32>
      %mul3A_265 = arith.constant 3 : i32
      %mul3A_266 = arith.muli %scan3A_195, %mul3A_265 : i32
      %add3A_267 = arith.constant 2 : i32
      %add3A_268 = arith.addi %mul3A_266, %add3A_267 : i32
      %mul3A_269 = arith.constant 16 : i32
      %mul3A_270 = arith.muli %add3A_268, %mul3A_269 : i32
      %add3A_271 = arith.constant 24000 : i32
      %add3A_272 = arith.addi %add3A_271, %mul3A_270 : i32
      %add3A_273 = vector.broadcast %add3A_272 : i32 to vector<16xi32>
      %add3A_274 = arith.addi %add3A_273, %iota3A : vector<16xi32>
      %unique3A_275, %unique3A_276 = tpu.scan_count mask(%and3A_262 : vector<16xi1>) value(%sub3A_264 : vector<16xi32>) : vector<16xi1>, vector<16xi32>
      tpu.vector_store_idx %arg8[%sub3A_264], %add3A_274 masked %unique3A_275 : memref<8800xi32, #tpu.memory_space<vmem>>[vector<16xi32>], vector<16xi32>, vector<16xi1>
    }
    %scan3A_79 = arith.constant 125 : i32
    %dma_wait3A_80 = arith.constant 30000 : i32
    %dma_wait3A_81 = tpu.memref_slice %arg3[%dma_wait3A_80] : memref<60000xi32, #tpu.memory_space<hbm>> -> memref<6000xi32, #tpu.memory_space<hbm>>
    %dma_wait3A_82 = arith.constant 30000 : i32
    %dma_wait3A_83 = tpu.memref_slice %arg3[%dma_wait3A_82] : memref<60000xi32, #tpu.memory_space<hbm>> -> memref<6000xi32, #tpu.memory_space<hbm>>
    tpu.wait_dma2 semaphore(%arg14 : memref<!tpu.dma_semaphore, #tpu.memory_space<semaphore_mem>>) src(%dma_wait3A_83 : memref<6000xi32, #tpu.memory_space<hbm>>) dst(%arg7 : memref<6000xi32, #tpu.memory_space<vmem>>)
    %dma_start3A_84 = arith.constant 36000 : i32
    %dma_start3A_85 = tpu.memref_slice %arg3[%dma_start3A_84] : memref<60000xi32, #tpu.memory_space<hbm>> -> memref<6000xi32, #tpu.memory_space<hbm>>
    %dma_start3A_86 = arith.constant 36000 : i32
    %dma_start3A_87 = tpu.memref_slice %arg3[%dma_start3A_86] : memref<60000xi32, #tpu.memory_space<hbm>> -> memref<6000xi32, #tpu.memory_space<hbm>>
    tpu.enqueue_dma source(%dma_start3A_87 : memref<6000xi32, #tpu.memory_space<hbm>>) target(%arg6 : memref<6000xi32, #tpu.memory_space<vmem>>) target_semaphore(%arg13 : memref<!tpu.dma_semaphore, #tpu.memory_space<semaphore_mem>>)
    %scan3A_88 = arith.constant 0 : i32
    %scan3A_89 = arith.constant 0 : i32
    %scan3A_90 = arith.constant 125 : i32
    %scan3A_91 = arith.addi %scan3A_89, %scan3A_90 : i32
    %scan3A_92 = arith.constant 1 : i32
    scf.for %scan3A_195 = %scan3A_89 to %scan3A_91 step %scan3A_92  : i32 {
      %mul3A_196 = arith.constant 3 : i32
      %mul3A_197 = arith.muli %scan3A_195, %mul3A_196 : i32
      %add3A_198 = arith.constant 0 : i32
      %add3A_199 = arith.addi %mul3A_197, %add3A_198 : i32
      %mul3A_200 = arith.constant 16 : i32
      %mul3A_201 = arith.muli %add3A_199, %mul3A_200 : i32
      %get3A = arith.index_cast %mul3A_201 : i32 to index
      %get3A_202 = tpu.vector_load %arg7[%get3A] {strides = array<i32>} : memref<6000xi32, #tpu.memory_space<vmem>>, vector<16xi32>,
      %ge3A = vector.broadcast %mul3A_2 : i32 to vector<16xi32>
      %ge3A_203 = arith.cmpi sge, %get3A_202, %ge3A : vector<16xi32>
      %add3A_204 = arith.constant 8800 : i32
      %add3A_205 = arith.addi %mul3A_2, %add3A_204 : i32
      %lt3A = vector.broadcast %add3A_205 : i32 to vector<16xi32>
      %lt3A_206 = arith.cmpi slt, %get3A_202, %lt3A : vector<16xi32>
      %and3A = arith.andi %ge3A_203, %lt3A_206 : vector<16xi1>
      %sub3A = vector.broadcast %mul3A_2 : i32 to vector<16xi32>
      %sub3A_207 = arith.subi %get3A_202, %sub3A : vector<16xi32>
      %mul3A_208 = arith.constant 3 : i32
      %mul3A_209 = arith.muli %scan3A_195, %mul3A_208 : i32
      %add3A_210 = arith.constant 0 : i32
      %add3A_211 = arith.addi %mul3A_209, %add3A_210 : i32
      %mul3A_212 = arith.constant 16 : i32
      %mul3A_213 = arith.muli %add3A_211, %mul3A_212 : i32
      %add3A_214 = arith.constant 30000 : i32
      %add3A_215 = arith.addi %add3A_214, %mul3A_213 : i32
      %add3A_216 = vector.broadcast %add3A_215 : i32 to vector<16xi32>
      %add3A_217 = arith.addi %add3A_216, %iota3A : vector<16xi32>
      %unique3A, %unique3A_218 = tpu.scan_count mask(%and3A : vector<16xi1>) value(%sub3A_207 : vector<16xi32>) : vector<16xi1>, vector<16xi32>
      tpu.vector_store_idx %arg8[%sub3A_207], %add3A_217 masked %unique3A : memref<8800xi32, #tpu.memory_space<vmem>>[vector<16xi32>], vector<16xi32>, vector<16xi1>
      %mul3A_219 = arith.constant 3 : i32
      %mul3A_220 = arith.muli %scan3A_195, %mul3A_219 : i32
      %add3A_221 = arith.constant 1 : i32
      %add3A_222 = arith.addi %mul3A_220, %add3A_221 : i32
      %mul3A_223 = arith.constant 16 : i32
      %mul3A_224 = arith.muli %add3A_222, %mul3A_223 : i32
      %get3A_225 = arith.index_cast %mul3A_224 : i32 to index
      %get3A_226 = tpu.vector_load %arg7[%get3A_225] {strides = array<i32>} : memref<6000xi32, #tpu.memory_space<vmem>>, vector<16xi32>,
      %ge3A_227 = vector.broadcast %mul3A_2 : i32 to vector<16xi32>
      %ge3A_228 = arith.cmpi sge, %get3A_226, %ge3A_227 : vector<16xi32>
      %add3A_229 = arith.constant 8800 : i32
      %add3A_230 = arith.addi %mul3A_2, %add3A_229 : i32
      %lt3A_231 = vector.broadcast %add3A_230 : i32 to vector<16xi32>
      %lt3A_232 = arith.cmpi slt, %get3A_226, %lt3A_231 : vector<16xi32>
      %and3A_233 = arith.andi %ge3A_228, %lt3A_232 : vector<16xi1>
      %sub3A_234 = vector.broadcast %mul3A_2 : i32 to vector<16xi32>
      %sub3A_235 = arith.subi %get3A_226, %sub3A_234 : vector<16xi32>
      %mul3A_236 = arith.constant 3 : i32
      %mul3A_237 = arith.muli %scan3A_195, %mul3A_236 : i32
      %add3A_238 = arith.constant 1 : i32
      %add3A_239 = arith.addi %mul3A_237, %add3A_238 : i32
      %mul3A_240 = arith.constant 16 : i32
      %mul3A_241 = arith.muli %add3A_239, %mul3A_240 : i32
      %add3A_242 = arith.constant 30000 : i32
      %add3A_243 = arith.addi %add3A_242, %mul3A_241 : i32
      %add3A_244 = vector.broadcast %add3A_243 : i32 to vector<16xi32>
      %add3A_245 = arith.addi %add3A_244, %iota3A : vector<16xi32>
      %unique3A_246, %unique3A_247 = tpu.scan_count mask(%and3A_233 : vector<16xi1>) value(%sub3A_235 : vector<16xi32>) : vector<16xi1>, vector<16xi32>
      tpu.vector_store_idx %arg8[%sub3A_235], %add3A_245 masked %unique3A_246 : memref<8800xi32, #tpu.memory_space<vmem>>[vector<16xi32>], vector<16xi32>, vector<16xi1>
      %mul3A_248 = arith.constant 3 : i32
      %mul3A_249 = arith.muli %scan3A_195, %mul3A_248 : i32
      %add3A_250 = arith.constant 2 : i32
      %add3A_251 = arith.addi %mul3A_249, %add3A_250 : i32
      %mul3A_252 = arith.constant 16 : i32
      %mul3A_253 = arith.muli %add3A_251, %mul3A_252 : i32
      %get3A_254 = arith.index_cast %mul3A_253 : i32 to index
      %get3A_255 = tpu.vector_load %arg7[%get3A_254] {strides = array<i32>} : memref<6000xi32, #tpu.memory_space<vmem>>, vector<16xi32>,
      %ge3A_256 = vector.broadcast %mul3A_2 : i32 to vector<16xi32>
      %ge3A_257 = arith.cmpi sge, %get3A_255, %ge3A_256 : vector<16xi32>
      %add3A_258 = arith.constant 8800 : i32
      %add3A_259 = arith.addi %mul3A_2, %add3A_258 : i32
      %lt3A_260 = vector.broadcast %add3A_259 : i32 to vector<16xi32>
      %lt3A_261 = arith.cmpi slt, %get3A_255, %lt3A_260 : vector<16xi32>
      %and3A_262 = arith.andi %ge3A_257, %lt3A_261 : vector<16xi1>
      %sub3A_263 = vector.broadcast %mul3A_2 : i32 to vector<16xi32>
      %sub3A_264 = arith.subi %get3A_255, %sub3A_263 : vector<16xi32>
      %mul3A_265 = arith.constant 3 : i32
      %mul3A_266 = arith.muli %scan3A_195, %mul3A_265 : i32
      %add3A_267 = arith.constant 2 : i32
      %add3A_268 = arith.addi %mul3A_266, %add3A_267 : i32
      %mul3A_269 = arith.constant 16 : i32
      %mul3A_270 = arith.muli %add3A_268, %mul3A_269 : i32
      %add3A_271 = arith.constant 30000 : i32
      %add3A_272 = arith.addi %add3A_271, %mul3A_270 : i32
      %add3A_273 = vector.broadcast %add3A_272 : i32 to vector<16xi32>
      %add3A_274 = arith.addi %add3A_273, %iota3A : vector<16xi32>
      %unique3A_275, %unique3A_276 = tpu.scan_count mask(%and3A_262 : vector<16xi1>) value(%sub3A_264 : vector<16xi32>) : vector<16xi1>, vector<16xi32>
      tpu.vector_store_idx %arg8[%sub3A_264], %add3A_274 masked %unique3A_275 : memref<8800xi32, #tpu.memory_space<vmem>>[vector<16xi32>], vector<16xi32>, vector<16xi1>
    }
    %scan3A_93 = arith.constant 125 : i32
    %dma_wait3A_94 = arith.constant 36000 : i32
    %dma_wait3A_95 = tpu.memref_slice %arg3[%dma_wait3A_94] : memref<60000xi32, #tpu.memory_space<hbm>> -> memref<6000xi32, #tpu.memory_space<hbm>>
    %dma_wait3A_96 = arith.constant 36000 : i32
    %dma_wait3A_97 = tpu.memref_slice %arg3[%dma_wait3A_96] : memref<60000xi32, #tpu.memory_space<hbm>> -> memref<6000xi32, #tpu.memory_space<hbm>>
    tpu.wait_dma2 semaphore(%arg13 : memref<!tpu.dma_semaphore, #tpu.memory_space<semaphore_mem>>) src(%dma_wait3A_97 : memref<6000xi32, #tpu.memory_space<hbm>>) dst(%arg6 : memref<6000xi32, #tpu.memory_space<vmem>>)
    %dma_start3A_98 = arith.constant 42000 : i32
    %dma_start3A_99 = tpu.memref_slice %arg3[%dma_start3A_98] : memref<60000xi32, #tpu.memory_space<hbm>> -> memref<6000xi32, #tpu.memory_space<hbm>>
    %dma_start3A_100 = arith.constant 42000 : i32
    %dma_start3A_101 = tpu.memref_slice %arg3[%dma_start3A_100] : memref<60000xi32, #tpu.memory_space<hbm>> -> memref<6000xi32, #tpu.memory_space<hbm>>
    tpu.enqueue_dma source(%dma_start3A_101 : memref<6000xi32, #tpu.memory_space<hbm>>) target(%arg7 : memref<6000xi32, #tpu.memory_space<vmem>>) target_semaphore(%arg14 : memref<!tpu.dma_semaphore, #tpu.memory_space<semaphore_mem>>)
    %scan3A_102 = arith.constant 0 : i32
    %scan3A_103 = arith.constant 0 : i32
    %scan3A_104 = arith.constant 125 : i32
    %scan3A_105 = arith.addi %scan3A_103, %scan3A_104 : i32
    %scan3A_106 = arith.constant 1 : i32
    scf.for %scan3A_195 = %scan3A_103 to %scan3A_105 step %scan3A_106  : i32 {
      %mul3A_196 = arith.constant 3 : i32
      %mul3A_197 = arith.muli %scan3A_195, %mul3A_196 : i32
      %add3A_198 = arith.constant 0 : i32
      %add3A_199 = arith.addi %mul3A_197, %add3A_198 : i32
      %mul3A_200 = arith.constant 16 : i32
      %mul3A_201 = arith.muli %add3A_199, %mul3A_200 : i32
      %get3A = arith.index_cast %mul3A_201 : i32 to index
      %get3A_202 = tpu.vector_load %arg6[%get3A] {strides = array<i32>} : memref<6000xi32, #tpu.memory_space<vmem>>, vector<16xi32>,
      %ge3A = vector.broadcast %mul3A_2 : i32 to vector<16xi32>
      %ge3A_203 = arith.cmpi sge, %get3A_202, %ge3A : vector<16xi32>
      %add3A_204 = arith.constant 8800 : i32
      %add3A_205 = arith.addi %mul3A_2, %add3A_204 : i32
      %lt3A = vector.broadcast %add3A_205 : i32 to vector<16xi32>
      %lt3A_206 = arith.cmpi slt, %get3A_202, %lt3A : vector<16xi32>
      %and3A = arith.andi %ge3A_203, %lt3A_206 : vector<16xi1>
      %sub3A = vector.broadcast %mul3A_2 : i32 to vector<16xi32>
      %sub3A_207 = arith.subi %get3A_202, %sub3A : vector<16xi32>
      %mul3A_208 = arith.constant 3 : i32
      %mul3A_209 = arith.muli %scan3A_195, %mul3A_208 : i32
      %add3A_210 = arith.constant 0 : i32
      %add3A_211 = arith.addi %mul3A_209, %add3A_210 : i32
      %mul3A_212 = arith.constant 16 : i32
      %mul3A_213 = arith.muli %add3A_211, %mul3A_212 : i32
      %add3A_214 = arith.constant 36000 : i32
      %add3A_215 = arith.addi %add3A_214, %mul3A_213 : i32
      %add3A_216 = vector.broadcast %add3A_215 : i32 to vector<16xi32>
      %add3A_217 = arith.addi %add3A_216, %iota3A : vector<16xi32>
      %unique3A, %unique3A_218 = tpu.scan_count mask(%and3A : vector<16xi1>) value(%sub3A_207 : vector<16xi32>) : vector<16xi1>, vector<16xi32>
      tpu.vector_store_idx %arg8[%sub3A_207], %add3A_217 masked %unique3A : memref<8800xi32, #tpu.memory_space<vmem>>[vector<16xi32>], vector<16xi32>, vector<16xi1>
      %mul3A_219 = arith.constant 3 : i32
      %mul3A_220 = arith.muli %scan3A_195, %mul3A_219 : i32
      %add3A_221 = arith.constant 1 : i32
      %add3A_222 = arith.addi %mul3A_220, %add3A_221 : i32
      %mul3A_223 = arith.constant 16 : i32
      %mul3A_224 = arith.muli %add3A_222, %mul3A_223 : i32
      %get3A_225 = arith.index_cast %mul3A_224 : i32 to index
      %get3A_226 = tpu.vector_load %arg6[%get3A_225] {strides = array<i32>} : memref<6000xi32, #tpu.memory_space<vmem>>, vector<16xi32>,
      %ge3A_227 = vector.broadcast %mul3A_2 : i32 to vector<16xi32>
      %ge3A_228 = arith.cmpi sge, %get3A_226, %ge3A_227 : vector<16xi32>
      %add3A_229 = arith.constant 8800 : i32
      %add3A_230 = arith.addi %mul3A_2, %add3A_229 : i32
      %lt3A_231 = vector.broadcast %add3A_230 : i32 to vector<16xi32>
      %lt3A_232 = arith.cmpi slt, %get3A_226, %lt3A_231 : vector<16xi32>
      %and3A_233 = arith.andi %ge3A_228, %lt3A_232 : vector<16xi1>
      %sub3A_234 = vector.broadcast %mul3A_2 : i32 to vector<16xi32>
      %sub3A_235 = arith.subi %get3A_226, %sub3A_234 : vector<16xi32>
      %mul3A_236 = arith.constant 3 : i32
      %mul3A_237 = arith.muli %scan3A_195, %mul3A_236 : i32
      %add3A_238 = arith.constant 1 : i32
      %add3A_239 = arith.addi %mul3A_237, %add3A_238 : i32
      %mul3A_240 = arith.constant 16 : i32
      %mul3A_241 = arith.muli %add3A_239, %mul3A_240 : i32
      %add3A_242 = arith.constant 36000 : i32
      %add3A_243 = arith.addi %add3A_242, %mul3A_241 : i32
      %add3A_244 = vector.broadcast %add3A_243 : i32 to vector<16xi32>
      %add3A_245 = arith.addi %add3A_244, %iota3A : vector<16xi32>
      %unique3A_246, %unique3A_247 = tpu.scan_count mask(%and3A_233 : vector<16xi1>) value(%sub3A_235 : vector<16xi32>) : vector<16xi1>, vector<16xi32>
      tpu.vector_store_idx %arg8[%sub3A_235], %add3A_245 masked %unique3A_246 : memref<8800xi32, #tpu.memory_space<vmem>>[vector<16xi32>], vector<16xi32>, vector<16xi1>
      %mul3A_248 = arith.constant 3 : i32
      %mul3A_249 = arith.muli %scan3A_195, %mul3A_248 : i32
      %add3A_250 = arith.constant 2 : i32
      %add3A_251 = arith.addi %mul3A_249, %add3A_250 : i32
      %mul3A_252 = arith.constant 16 : i32
      %mul3A_253 = arith.muli %add3A_251, %mul3A_252 : i32
      %get3A_254 = arith.index_cast %mul3A_253 : i32 to index
      %get3A_255 = tpu.vector_load %arg6[%get3A_254] {strides = array<i32>} : memref<6000xi32, #tpu.memory_space<vmem>>, vector<16xi32>,
      %ge3A_256 = vector.broadcast %mul3A_2 : i32 to vector<16xi32>
      %ge3A_257 = arith.cmpi sge, %get3A_255, %ge3A_256 : vector<16xi32>
      %add3A_258 = arith.constant 8800 : i32
      %add3A_259 = arith.addi %mul3A_2, %add3A_258 : i32
      %lt3A_260 = vector.broadcast %add3A_259 : i32 to vector<16xi32>
      %lt3A_261 = arith.cmpi slt, %get3A_255, %lt3A_260 : vector<16xi32>
      %and3A_262 = arith.andi %ge3A_257, %lt3A_261 : vector<16xi1>
      %sub3A_263 = vector.broadcast %mul3A_2 : i32 to vector<16xi32>
      %sub3A_264 = arith.subi %get3A_255, %sub3A_263 : vector<16xi32>
      %mul3A_265 = arith.constant 3 : i32
      %mul3A_266 = arith.muli %scan3A_195, %mul3A_265 : i32
      %add3A_267 = arith.constant 2 : i32
      %add3A_268 = arith.addi %mul3A_266, %add3A_267 : i32
      %mul3A_269 = arith.constant 16 : i32
      %mul3A_270 = arith.muli %add3A_268, %mul3A_269 : i32
      %add3A_271 = arith.constant 36000 : i32
      %add3A_272 = arith.addi %add3A_271, %mul3A_270 : i32
      %add3A_273 = vector.broadcast %add3A_272 : i32 to vector<16xi32>
      %add3A_274 = arith.addi %add3A_273, %iota3A : vector<16xi32>
      %unique3A_275, %unique3A_276 = tpu.scan_count mask(%and3A_262 : vector<16xi1>) value(%sub3A_264 : vector<16xi32>) : vector<16xi1>, vector<16xi32>
      tpu.vector_store_idx %arg8[%sub3A_264], %add3A_274 masked %unique3A_275 : memref<8800xi32, #tpu.memory_space<vmem>>[vector<16xi32>], vector<16xi32>, vector<16xi1>
    }
    %scan3A_107 = arith.constant 125 : i32
    %dma_wait3A_108 = arith.constant 42000 : i32
    %dma_wait3A_109 = tpu.memref_slice %arg3[%dma_wait3A_108] : memref<60000xi32, #tpu.memory_space<hbm>> -> memref<6000xi32, #tpu.memory_space<hbm>>
    %dma_wait3A_110 = arith.constant 42000 : i32
    %dma_wait3A_111 = tpu.memref_slice %arg3[%dma_wait3A_110] : memref<60000xi32, #tpu.memory_space<hbm>> -> memref<6000xi32, #tpu.memory_space<hbm>>
    tpu.wait_dma2 semaphore(%arg14 : memref<!tpu.dma_semaphore, #tpu.memory_space<semaphore_mem>>) src(%dma_wait3A_111 : memref<6000xi32, #tpu.memory_space<hbm>>) dst(%arg7 : memref<6000xi32, #tpu.memory_space<vmem>>)
    %dma_start3A_112 = arith.constant 48000 : i32
    %dma_start3A_113 = tpu.memref_slice %arg3[%dma_start3A_112] : memref<60000xi32, #tpu.memory_space<hbm>> -> memref<6000xi32, #tpu.memory_space<hbm>>
    %dma_start3A_114 = arith.constant 48000 : i32
    %dma_start3A_115 = tpu.memref_slice %arg3[%dma_start3A_114] : memref<60000xi32, #tpu.memory_space<hbm>> -> memref<6000xi32, #tpu.memory_space<hbm>>
    tpu.enqueue_dma source(%dma_start3A_115 : memref<6000xi32, #tpu.memory_space<hbm>>) target(%arg6 : memref<6000xi32, #tpu.memory_space<vmem>>) target_semaphore(%arg13 : memref<!tpu.dma_semaphore, #tpu.memory_space<semaphore_mem>>)
    %scan3A_116 = arith.constant 0 : i32
    %scan3A_117 = arith.constant 0 : i32
    %scan3A_118 = arith.constant 125 : i32
    %scan3A_119 = arith.addi %scan3A_117, %scan3A_118 : i32
    %scan3A_120 = arith.constant 1 : i32
    scf.for %scan3A_195 = %scan3A_117 to %scan3A_119 step %scan3A_120  : i32 {
      %mul3A_196 = arith.constant 3 : i32
      %mul3A_197 = arith.muli %scan3A_195, %mul3A_196 : i32
      %add3A_198 = arith.constant 0 : i32
      %add3A_199 = arith.addi %mul3A_197, %add3A_198 : i32
      %mul3A_200 = arith.constant 16 : i32
      %mul3A_201 = arith.muli %add3A_199, %mul3A_200 : i32
      %get3A = arith.index_cast %mul3A_201 : i32 to index
      %get3A_202 = tpu.vector_load %arg7[%get3A] {strides = array<i32>} : memref<6000xi32, #tpu.memory_space<vmem>>, vector<16xi32>,
      %ge3A = vector.broadcast %mul3A_2 : i32 to vector<16xi32>
      %ge3A_203 = arith.cmpi sge, %get3A_202, %ge3A : vector<16xi32>
      %add3A_204 = arith.constant 8800 : i32
      %add3A_205 = arith.addi %mul3A_2, %add3A_204 : i32
      %lt3A = vector.broadcast %add3A_205 : i32 to vector<16xi32>
      %lt3A_206 = arith.cmpi slt, %get3A_202, %lt3A : vector<16xi32>
      %and3A = arith.andi %ge3A_203, %lt3A_206 : vector<16xi1>
      %sub3A = vector.broadcast %mul3A_2 : i32 to vector<16xi32>
      %sub3A_207 = arith.subi %get3A_202, %sub3A : vector<16xi32>
      %mul3A_208 = arith.constant 3 : i32
      %mul3A_209 = arith.muli %scan3A_195, %mul3A_208 : i32
      %add3A_210 = arith.constant 0 : i32
      %add3A_211 = arith.addi %mul3A_209, %add3A_210 : i32
      %mul3A_212 = arith.constant 16 : i32
      %mul3A_213 = arith.muli %add3A_211, %mul3A_212 : i32
      %add3A_214 = arith.constant 42000 : i32
      %add3A_215 = arith.addi %add3A_214, %mul3A_213 : i32
      %add3A_216 = vector.broadcast %add3A_215 : i32 to vector<16xi32>
      %add3A_217 = arith.addi %add3A_216, %iota3A : vector<16xi32>
      %unique3A, %unique3A_218 = tpu.scan_count mask(%and3A : vector<16xi1>) value(%sub3A_207 : vector<16xi32>) : vector<16xi1>, vector<16xi32>
      tpu.vector_store_idx %arg8[%sub3A_207], %add3A_217 masked %unique3A : memref<8800xi32, #tpu.memory_space<vmem>>[vector<16xi32>], vector<16xi32>, vector<16xi1>
      %mul3A_219 = arith.constant 3 : i32
      %mul3A_220 = arith.muli %scan3A_195, %mul3A_219 : i32
      %add3A_221 = arith.constant 1 : i32
      %add3A_222 = arith.addi %mul3A_220, %add3A_221 : i32
      %mul3A_223 = arith.constant 16 : i32
      %mul3A_224 = arith.muli %add3A_222, %mul3A_223 : i32
      %get3A_225 = arith.index_cast %mul3A_224 : i32 to index
      %get3A_226 = tpu.vector_load %arg7[%get3A_225] {strides = array<i32>} : memref<6000xi32, #tpu.memory_space<vmem>>, vector<16xi32>,
      %ge3A_227 = vector.broadcast %mul3A_2 : i32 to vector<16xi32>
      %ge3A_228 = arith.cmpi sge, %get3A_226, %ge3A_227 : vector<16xi32>
      %add3A_229 = arith.constant 8800 : i32
      %add3A_230 = arith.addi %mul3A_2, %add3A_229 : i32
      %lt3A_231 = vector.broadcast %add3A_230 : i32 to vector<16xi32>
      %lt3A_232 = arith.cmpi slt, %get3A_226, %lt3A_231 : vector<16xi32>
      %and3A_233 = arith.andi %ge3A_228, %lt3A_232 : vector<16xi1>
      %sub3A_234 = vector.broadcast %mul3A_2 : i32 to vector<16xi32>
      %sub3A_235 = arith.subi %get3A_226, %sub3A_234 : vector<16xi32>
      %mul3A_236 = arith.constant 3 : i32
      %mul3A_237 = arith.muli %scan3A_195, %mul3A_236 : i32
      %add3A_238 = arith.constant 1 : i32
      %add3A_239 = arith.addi %mul3A_237, %add3A_238 : i32
      %mul3A_240 = arith.constant 16 : i32
      %mul3A_241 = arith.muli %add3A_239, %mul3A_240 : i32
      %add3A_242 = arith.constant 42000 : i32
      %add3A_243 = arith.addi %add3A_242, %mul3A_241 : i32
      %add3A_244 = vector.broadcast %add3A_243 : i32 to vector<16xi32>
      %add3A_245 = arith.addi %add3A_244, %iota3A : vector<16xi32>
      %unique3A_246, %unique3A_247 = tpu.scan_count mask(%and3A_233 : vector<16xi1>) value(%sub3A_235 : vector<16xi32>) : vector<16xi1>, vector<16xi32>
      tpu.vector_store_idx %arg8[%sub3A_235], %add3A_245 masked %unique3A_246 : memref<8800xi32, #tpu.memory_space<vmem>>[vector<16xi32>], vector<16xi32>, vector<16xi1>
      %mul3A_248 = arith.constant 3 : i32
      %mul3A_249 = arith.muli %scan3A_195, %mul3A_248 : i32
      %add3A_250 = arith.constant 2 : i32
      %add3A_251 = arith.addi %mul3A_249, %add3A_250 : i32
      %mul3A_252 = arith.constant 16 : i32
      %mul3A_253 = arith.muli %add3A_251, %mul3A_252 : i32
      %get3A_254 = arith.index_cast %mul3A_253 : i32 to index
      %get3A_255 = tpu.vector_load %arg7[%get3A_254] {strides = array<i32>} : memref<6000xi32, #tpu.memory_space<vmem>>, vector<16xi32>,
      %ge3A_256 = vector.broadcast %mul3A_2 : i32 to vector<16xi32>
      %ge3A_257 = arith.cmpi sge, %get3A_255, %ge3A_256 : vector<16xi32>
      %add3A_258 = arith.constant 8800 : i32
      %add3A_259 = arith.addi %mul3A_2, %add3A_258 : i32
      %lt3A_260 = vector.broadcast %add3A_259 : i32 to vector<16xi32>
      %lt3A_261 = arith.cmpi slt, %get3A_255, %lt3A_260 : vector<16xi32>
      %and3A_262 = arith.andi %ge3A_257, %lt3A_261 : vector<16xi1>
      %sub3A_263 = vector.broadcast %mul3A_2 : i32 to vector<16xi32>
      %sub3A_264 = arith.subi %get3A_255, %sub3A_263 : vector<16xi32>
      %mul3A_265 = arith.constant 3 : i32
      %mul3A_266 = arith.muli %scan3A_195, %mul3A_265 : i32
      %add3A_267 = arith.constant 2 : i32
      %add3A_268 = arith.addi %mul3A_266, %add3A_267 : i32
      %mul3A_269 = arith.constant 16 : i32
      %mul3A_270 = arith.muli %add3A_268, %mul3A_269 : i32
      %add3A_271 = arith.constant 42000 : i32
      %add3A_272 = arith.addi %add3A_271, %mul3A_270 : i32
      %add3A_273 = vector.broadcast %add3A_272 : i32 to vector<16xi32>
      %add3A_274 = arith.addi %add3A_273, %iota3A : vector<16xi32>
      %unique3A_275, %unique3A_276 = tpu.scan_count mask(%and3A_262 : vector<16xi1>) value(%sub3A_264 : vector<16xi32>) : vector<16xi1>, vector<16xi32>
      tpu.vector_store_idx %arg8[%sub3A_264], %add3A_274 masked %unique3A_275 : memref<8800xi32, #tpu.memory_space<vmem>>[vector<16xi32>], vector<16xi32>, vector<16xi1>
    }
    %scan3A_121 = arith.constant 125 : i32
    %dma_wait3A_122 = arith.constant 48000 : i32
    %dma_wait3A_123 = tpu.memref_slice %arg3[%dma_wait3A_122] : memref<60000xi32, #tpu.memory_space<hbm>> -> memref<6000xi32, #tpu.memory_space<hbm>>
    %dma_wait3A_124 = arith.constant 48000 : i32
    %dma_wait3A_125 = tpu.memref_slice %arg3[%dma_wait3A_124] : memref<60000xi32, #tpu.memory_space<hbm>> -> memref<6000xi32, #tpu.memory_space<hbm>>
    tpu.wait_dma2 semaphore(%arg13 : memref<!tpu.dma_semaphore, #tpu.memory_space<semaphore_mem>>) src(%dma_wait3A_125 : memref<6000xi32, #tpu.memory_space<hbm>>) dst(%arg6 : memref<6000xi32, #tpu.memory_space<vmem>>)
    %dma_start3A_126 = arith.constant 54000 : i32
    %dma_start3A_127 = tpu.memref_slice %arg3[%dma_start3A_126] : memref<60000xi32, #tpu.memory_space<hbm>> -> memref<6000xi32, #tpu.memory_space<hbm>>
    %dma_start3A_128 = arith.constant 54000 : i32
    %dma_start3A_129 = tpu.memref_slice %arg3[%dma_start3A_128] : memref<60000xi32, #tpu.memory_space<hbm>> -> memref<6000xi32, #tpu.memory_space<hbm>>
    tpu.enqueue_dma source(%dma_start3A_129 : memref<6000xi32, #tpu.memory_space<hbm>>) target(%arg7 : memref<6000xi32, #tpu.memory_space<vmem>>) target_semaphore(%arg14 : memref<!tpu.dma_semaphore, #tpu.memory_space<semaphore_mem>>)
    %scan3A_130 = arith.constant 0 : i32
    %scan3A_131 = arith.constant 0 : i32
    %scan3A_132 = arith.constant 125 : i32
    %scan3A_133 = arith.addi %scan3A_131, %scan3A_132 : i32
    %scan3A_134 = arith.constant 1 : i32
    scf.for %scan3A_195 = %scan3A_131 to %scan3A_133 step %scan3A_134  : i32 {
      %mul3A_196 = arith.constant 3 : i32
      %mul3A_197 = arith.muli %scan3A_195, %mul3A_196 : i32
      %add3A_198 = arith.constant 0 : i32
      %add3A_199 = arith.addi %mul3A_197, %add3A_198 : i32
      %mul3A_200 = arith.constant 16 : i32
      %mul3A_201 = arith.muli %add3A_199, %mul3A_200 : i32
      %get3A = arith.index_cast %mul3A_201 : i32 to index
      %get3A_202 = tpu.vector_load %arg6[%get3A] {strides = array<i32>} : memref<6000xi32, #tpu.memory_space<vmem>>, vector<16xi32>,
      %ge3A = vector.broadcast %mul3A_2 : i32 to vector<16xi32>
      %ge3A_203 = arith.cmpi sge, %get3A_202, %ge3A : vector<16xi32>
      %add3A_204 = arith.constant 8800 : i32
      %add3A_205 = arith.addi %mul3A_2, %add3A_204 : i32
      %lt3A = vector.broadcast %add3A_205 : i32 to vector<16xi32>
      %lt3A_206 = arith.cmpi slt, %get3A_202, %lt3A : vector<16xi32>
      %and3A = arith.andi %ge3A_203, %lt3A_206 : vector<16xi1>
      %sub3A = vector.broadcast %mul3A_2 : i32 to vector<16xi32>
      %sub3A_207 = arith.subi %get3A_202, %sub3A : vector<16xi32>
      %mul3A_208 = arith.constant 3 : i32
      %mul3A_209 = arith.muli %scan3A_195, %mul3A_208 : i32
      %add3A_210 = arith.constant 0 : i32
      %add3A_211 = arith.addi %mul3A_209, %add3A_210 : i32
      %mul3A_212 = arith.constant 16 : i32
      %mul3A_213 = arith.muli %add3A_211, %mul3A_212 : i32
      %add3A_214 = arith.constant 48000 : i32
      %add3A_215 = arith.addi %add3A_214, %mul3A_213 : i32
      %add3A_216 = vector.broadcast %add3A_215 : i32 to vector<16xi32>
      %add3A_217 = arith.addi %add3A_216, %iota3A : vector<16xi32>
      %unique3A, %unique3A_218 = tpu.scan_count mask(%and3A : vector<16xi1>) value(%sub3A_207 : vector<16xi32>) : vector<16xi1>, vector<16xi32>
      tpu.vector_store_idx %arg8[%sub3A_207], %add3A_217 masked %unique3A : memref<8800xi32, #tpu.memory_space<vmem>>[vector<16xi32>], vector<16xi32>, vector<16xi1>
      %mul3A_219 = arith.constant 3 : i32
      %mul3A_220 = arith.muli %scan3A_195, %mul3A_219 : i32
      %add3A_221 = arith.constant 1 : i32
      %add3A_222 = arith.addi %mul3A_220, %add3A_221 : i32
      %mul3A_223 = arith.constant 16 : i32
      %mul3A_224 = arith.muli %add3A_222, %mul3A_223 : i32
      %get3A_225 = arith.index_cast %mul3A_224 : i32 to index
      %get3A_226 = tpu.vector_load %arg6[%get3A_225] {strides = array<i32>} : memref<6000xi32, #tpu.memory_space<vmem>>, vector<16xi32>,
      %ge3A_227 = vector.broadcast %mul3A_2 : i32 to vector<16xi32>
      %ge3A_228 = arith.cmpi sge, %get3A_226, %ge3A_227 : vector<16xi32>
      %add3A_229 = arith.constant 8800 : i32
      %add3A_230 = arith.addi %mul3A_2, %add3A_229 : i32
      %lt3A_231 = vector.broadcast %add3A_230 : i32 to vector<16xi32>
      %lt3A_232 = arith.cmpi slt, %get3A_226, %lt3A_231 : vector<16xi32>
      %and3A_233 = arith.andi %ge3A_228, %lt3A_232 : vector<16xi1>
      %sub3A_234 = vector.broadcast %mul3A_2 : i32 to vector<16xi32>
      %sub3A_235 = arith.subi %get3A_226, %sub3A_234 : vector<16xi32>
      %mul3A_236 = arith.constant 3 : i32
      %mul3A_237 = arith.muli %scan3A_195, %mul3A_236 : i32
      %add3A_238 = arith.constant 1 : i32
      %add3A_239 = arith.addi %mul3A_237, %add3A_238 : i32
      %mul3A_240 = arith.constant 16 : i32
      %mul3A_241 = arith.muli %add3A_239, %mul3A_240 : i32
      %add3A_242 = arith.constant 48000 : i32
      %add3A_243 = arith.addi %add3A_242, %mul3A_241 : i32
      %add3A_244 = vector.broadcast %add3A_243 : i32 to vector<16xi32>
      %add3A_245 = arith.addi %add3A_244, %iota3A : vector<16xi32>
      %unique3A_246, %unique3A_247 = tpu.scan_count mask(%and3A_233 : vector<16xi1>) value(%sub3A_235 : vector<16xi32>) : vector<16xi1>, vector<16xi32>
      tpu.vector_store_idx %arg8[%sub3A_235], %add3A_245 masked %unique3A_246 : memref<8800xi32, #tpu.memory_space<vmem>>[vector<16xi32>], vector<16xi32>, vector<16xi1>
      %mul3A_248 = arith.constant 3 : i32
      %mul3A_249 = arith.muli %scan3A_195, %mul3A_248 : i32
      %add3A_250 = arith.constant 2 : i32
      %add3A_251 = arith.addi %mul3A_249, %add3A_250 : i32
      %mul3A_252 = arith.constant 16 : i32
      %mul3A_253 = arith.muli %add3A_251, %mul3A_252 : i32
      %get3A_254 = arith.index_cast %mul3A_253 : i32 to index
      %get3A_255 = tpu.vector_load %arg6[%get3A_254] {strides = array<i32>} : memref<6000xi32, #tpu.memory_space<vmem>>, vector<16xi32>,
      %ge3A_256 = vector.broadcast %mul3A_2 : i32 to vector<16xi32>
      %ge3A_257 = arith.cmpi sge, %get3A_255, %ge3A_256 : vector<16xi32>
      %add3A_258 = arith.constant 8800 : i32
      %add3A_259 = arith.addi %mul3A_2, %add3A_258 : i32
      %lt3A_260 = vector.broadcast %add3A_259 : i32 to vector<16xi32>
      %lt3A_261 = arith.cmpi slt, %get3A_255, %lt3A_260 : vector<16xi32>
      %and3A_262 = arith.andi %ge3A_257, %lt3A_261 : vector<16xi1>
      %sub3A_263 = vector.broadcast %mul3A_2 : i32 to vector<16xi32>
      %sub3A_264 = arith.subi %get3A_255, %sub3A_263 : vector<16xi32>
      %mul3A_265 = arith.constant 3 : i32
      %mul3A_266 = arith.muli %scan3A_195, %mul3A_265 : i32
      %add3A_267 = arith.constant 2 : i32
      %add3A_268 = arith.addi %mul3A_266, %add3A_267 : i32
      %mul3A_269 = arith.constant 16 : i32
      %mul3A_270 = arith.muli %add3A_268, %mul3A_269 : i32
      %add3A_271 = arith.constant 48000 : i32
      %add3A_272 = arith.addi %add3A_271, %mul3A_270 : i32
      %add3A_273 = vector.broadcast %add3A_272 : i32 to vector<16xi32>
      %add3A_274 = arith.addi %add3A_273, %iota3A : vector<16xi32>
      %unique3A_275, %unique3A_276 = tpu.scan_count mask(%and3A_262 : vector<16xi1>) value(%sub3A_264 : vector<16xi32>) : vector<16xi1>, vector<16xi32>
      tpu.vector_store_idx %arg8[%sub3A_264], %add3A_274 masked %unique3A_275 : memref<8800xi32, #tpu.memory_space<vmem>>[vector<16xi32>], vector<16xi32>, vector<16xi1>
    }
    %scan3A_135 = arith.constant 125 : i32
    %dma_wait3A_136 = arith.constant 54000 : i32
    %dma_wait3A_137 = tpu.memref_slice %arg3[%dma_wait3A_136] : memref<60000xi32, #tpu.memory_space<hbm>> -> memref<6000xi32, #tpu.memory_space<hbm>>
    %dma_wait3A_138 = arith.constant 54000 : i32
    %dma_wait3A_139 = tpu.memref_slice %arg3[%dma_wait3A_138] : memref<60000xi32, #tpu.memory_space<hbm>> -> memref<6000xi32, #tpu.memory_space<hbm>>
    tpu.wait_dma2 semaphore(%arg14 : memref<!tpu.dma_semaphore, #tpu.memory_space<semaphore_mem>>) src(%dma_wait3A_139 : memref<6000xi32, #tpu.memory_space<hbm>>) dst(%arg7 : memref<6000xi32, #tpu.memory_space<vmem>>)
    %scan3A_140 = arith.constant 0 : i32
    %scan3A_141 = arith.constant 0 : i32
    %scan3A_142 = arith.constant 125 : i32
    %scan3A_143 = arith.addi %scan3A_141, %scan3A_142 : i32
    %scan3A_144 = arith.constant 1 : i32
    scf.for %scan3A_195 = %scan3A_141 to %scan3A_143 step %scan3A_144  : i32 {
      %mul3A_196 = arith.constant 3 : i32
      %mul3A_197 = arith.muli %scan3A_195, %mul3A_196 : i32
      %add3A_198 = arith.constant 0 : i32
      %add3A_199 = arith.addi %mul3A_197, %add3A_198 : i32
      %mul3A_200 = arith.constant 16 : i32
      %mul3A_201 = arith.muli %add3A_199, %mul3A_200 : i32
      %get3A = arith.index_cast %mul3A_201 : i32 to index
      %get3A_202 = tpu.vector_load %arg7[%get3A] {strides = array<i32>} : memref<6000xi32, #tpu.memory_space<vmem>>, vector<16xi32>,
      %ge3A = vector.broadcast %mul3A_2 : i32 to vector<16xi32>
      %ge3A_203 = arith.cmpi sge, %get3A_202, %ge3A : vector<16xi32>
      %add3A_204 = arith.constant 8800 : i32
      %add3A_205 = arith.addi %mul3A_2, %add3A_204 : i32
      %lt3A = vector.broadcast %add3A_205 : i32 to vector<16xi32>
      %lt3A_206 = arith.cmpi slt, %get3A_202, %lt3A : vector<16xi32>
      %and3A = arith.andi %ge3A_203, %lt3A_206 : vector<16xi1>
      %sub3A = vector.broadcast %mul3A_2 : i32 to vector<16xi32>
      %sub3A_207 = arith.subi %get3A_202, %sub3A : vector<16xi32>
      %mul3A_208 = arith.constant 3 : i32
      %mul3A_209 = arith.muli %scan3A_195, %mul3A_208 : i32
      %add3A_210 = arith.constant 0 : i32
      %add3A_211 = arith.addi %mul3A_209, %add3A_210 : i32
      %mul3A_212 = arith.constant 16 : i32
      %mul3A_213 = arith.muli %add3A_211, %mul3A_212 : i32
      %add3A_214 = arith.constant 54000 : i32
      %add3A_215 = arith.addi %add3A_214, %mul3A_213 : i32
      %add3A_216 = vector.broadcast %add3A_215 : i32 to vector<16xi32>
      %add3A_217 = arith.addi %add3A_216, %iota3A : vector<16xi32>
      %unique3A, %unique3A_218 = tpu.scan_count mask(%and3A : vector<16xi1>) value(%sub3A_207 : vector<16xi32>) : vector<16xi1>, vector<16xi32>
      tpu.vector_store_idx %arg8[%sub3A_207], %add3A_217 masked %unique3A : memref<8800xi32, #tpu.memory_space<vmem>>[vector<16xi32>], vector<16xi32>, vector<16xi1>
      %mul3A_219 = arith.constant 3 : i32
      %mul3A_220 = arith.muli %scan3A_195, %mul3A_219 : i32
      %add3A_221 = arith.constant 1 : i32
      %add3A_222 = arith.addi %mul3A_220, %add3A_221 : i32
      %mul3A_223 = arith.constant 16 : i32
      %mul3A_224 = arith.muli %add3A_222, %mul3A_223 : i32
      %get3A_225 = arith.index_cast %mul3A_224 : i32 to index
      %get3A_226 = tpu.vector_load %arg7[%get3A_225] {strides = array<i32>} : memref<6000xi32, #tpu.memory_space<vmem>>, vector<16xi32>,
      %ge3A_227 = vector.broadcast %mul3A_2 : i32 to vector<16xi32>
      %ge3A_228 = arith.cmpi sge, %get3A_226, %ge3A_227 : vector<16xi32>
      %add3A_229 = arith.constant 8800 : i32
      %add3A_230 = arith.addi %mul3A_2, %add3A_229 : i32
      %lt3A_231 = vector.broadcast %add3A_230 : i32 to vector<16xi32>
      %lt3A_232 = arith.cmpi slt, %get3A_226, %lt3A_231 : vector<16xi32>
      %and3A_233 = arith.andi %ge3A_228, %lt3A_232 : vector<16xi1>
      %sub3A_234 = vector.broadcast %mul3A_2 : i32 to vector<16xi32>
      %sub3A_235 = arith.subi %get3A_226, %sub3A_234 : vector<16xi32>
      %mul3A_236 = arith.constant 3 : i32
      %mul3A_237 = arith.muli %scan3A_195, %mul3A_236 : i32
      %add3A_238 = arith.constant 1 : i32
      %add3A_239 = arith.addi %mul3A_237, %add3A_238 : i32
      %mul3A_240 = arith.constant 16 : i32
      %mul3A_241 = arith.muli %add3A_239, %mul3A_240 : i32
      %add3A_242 = arith.constant 54000 : i32
      %add3A_243 = arith.addi %add3A_242, %mul3A_241 : i32
      %add3A_244 = vector.broadcast %add3A_243 : i32 to vector<16xi32>
      %add3A_245 = arith.addi %add3A_244, %iota3A : vector<16xi32>
      %unique3A_246, %unique3A_247 = tpu.scan_count mask(%and3A_233 : vector<16xi1>) value(%sub3A_235 : vector<16xi32>) : vector<16xi1>, vector<16xi32>
      tpu.vector_store_idx %arg8[%sub3A_235], %add3A_245 masked %unique3A_246 : memref<8800xi32, #tpu.memory_space<vmem>>[vector<16xi32>], vector<16xi32>, vector<16xi1>
      %mul3A_248 = arith.constant 3 : i32
      %mul3A_249 = arith.muli %scan3A_195, %mul3A_248 : i32
      %add3A_250 = arith.constant 2 : i32
      %add3A_251 = arith.addi %mul3A_249, %add3A_250 : i32
      %mul3A_252 = arith.constant 16 : i32
      %mul3A_253 = arith.muli %add3A_251, %mul3A_252 : i32
      %get3A_254 = arith.index_cast %mul3A_253 : i32 to index
      %get3A_255 = tpu.vector_load %arg7[%get3A_254] {strides = array<i32>} : memref<6000xi32, #tpu.memory_space<vmem>>, vector<16xi32>,
      %ge3A_256 = vector.broadcast %mul3A_2 : i32 to vector<16xi32>
      %ge3A_257 = arith.cmpi sge, %get3A_255, %ge3A_256 : vector<16xi32>
      %add3A_258 = arith.constant 8800 : i32
      %add3A_259 = arith.addi %mul3A_2, %add3A_258 : i32
      %lt3A_260 = vector.broadcast %add3A_259 : i32 to vector<16xi32>
      %lt3A_261 = arith.cmpi slt, %get3A_255, %lt3A_260 : vector<16xi32>
      %and3A_262 = arith.andi %ge3A_257, %lt3A_261 : vector<16xi1>
      %sub3A_263 = vector.broadcast %mul3A_2 : i32 to vector<16xi32>
      %sub3A_264 = arith.subi %get3A_255, %sub3A_263 : vector<16xi32>
      %mul3A_265 = arith.constant 3 : i32
      %mul3A_266 = arith.muli %scan3A_195, %mul3A_265 : i32
      %add3A_267 = arith.constant 2 : i32
      %add3A_268 = arith.addi %mul3A_266, %add3A_267 : i32
      %mul3A_269 = arith.constant 16 : i32
      %mul3A_270 = arith.muli %add3A_268, %mul3A_269 : i32
      %add3A_271 = arith.constant 54000 : i32
      %add3A_272 = arith.addi %add3A_271, %mul3A_270 : i32
      %add3A_273 = vector.broadcast %add3A_272 : i32 to vector<16xi32>
      %add3A_274 = arith.addi %add3A_273, %iota3A : vector<16xi32>
      %unique3A_275, %unique3A_276 = tpu.scan_count mask(%and3A_262 : vector<16xi1>) value(%sub3A_264 : vector<16xi32>) : vector<16xi1>, vector<16xi32>
      tpu.vector_store_idx %arg8[%sub3A_264], %add3A_274 masked %unique3A_275 : memref<8800xi32, #tpu.memory_space<vmem>>[vector<16xi32>], vector<16xi32>, vector<16xi1>
    }
    %scan3A_145 = arith.constant 125 : i32
    "tpu.region"() ({
      %run_scoped3A = tpu.sem_alloc : memref<!tpu.dma_semaphore, #tpu.memory_space<semaphore_mem>>
      %dma_start3A_195 = tpu.memref_slice %arg5[%mul3A_2] : memref<281600xi32, #tpu.memory_space<hbm>> -> memref<8800xi32, #tpu.memory_space<hbm>>
      %dma_start3A_196 = tpu.memref_slice %arg5[%mul3A_2] : memref<281600xi32, #tpu.memory_space<hbm>> -> memref<8800xi32, #tpu.memory_space<hbm>>
      tpu.enqueue_dma source(%arg8 : memref<8800xi32, #tpu.memory_space<vmem>>) target(%dma_start3A_196 : memref<8800xi32, #tpu.memory_space<hbm>>) target_semaphore(%run_scoped3A : memref<!tpu.dma_semaphore, #tpu.memory_space<semaphore_mem>>)
      %dma_wait3A_197 = tpu.memref_slice %arg5[%mul3A_2] : memref<281600xi32, #tpu.memory_space<hbm>> -> memref<8800xi32, #tpu.memory_space<hbm>>
      %dma_wait3A_198 = tpu.memref_slice %arg5[%mul3A_2] : memref<281600xi32, #tpu.memory_space<hbm>> -> memref<8800xi32, #tpu.memory_space<hbm>>
      tpu.wait_dma2 semaphore(%run_scoped3A : memref<!tpu.dma_semaphore, #tpu.memory_space<semaphore_mem>>) src(%arg8 : memref<8800xi32, #tpu.memory_space<vmem>>) dst(%dma_wait3A_198 : memref<8800xi32, #tpu.memory_space<hbm>>)
      tpu.yield
    }) : () -> ()
    %broadcast_in_dim3A = arith.constant 0 : i32
    %broadcast_in_dim3A_146 = vector.broadcast %broadcast_in_dim3A : i32 to vector<16xi32>
    %scan3A_147 = arith.constant 0 : i32
    %scan3A_148 = arith.constant 550 : i32
    %scan3A_149 = arith.addi %scan3A_147, %scan3A_148 : i32
    %scan3A_150 = arith.constant 1 : i32
    %scan3A_151 = scf.for %scan3A_195 = %scan3A_147 to %scan3A_149 step %scan3A_150 iter_args(%scan3A_196 = %broadcast_in_dim3A_146) -> (vector<16xi32>)  : i32 {
      %mul3A_197 = arith.constant 16 : i32
      %mul3A_198 = arith.muli %scan3A_195, %mul3A_197 : i32
      %get3A = arith.index_cast %mul3A_198 : i32 to index
      %get3A_199 = tpu.vector_load %arg8[%get3A] {strides = array<i32>} : memref<8800xi32, #tpu.memory_space<vmem>>, vector<16xi32>,
      %ge3A = arith.constant 0 : i32
      %ge3A_200 = vector.broadcast %ge3A : i32 to vector<16xi32>
      %ge3A_201 = arith.cmpi sge, %get3A_199, %ge3A_200 : vector<16xi32>
      %convert_element_type3A_202 = arith.extui %ge3A_201 : vector<16xi1> to vector<16xi32>
      %broadcast_in_dim3A_203 = arith.constant true
      %broadcast_in_dim3A_204 = vector.broadcast %broadcast_in_dim3A_203 : i1 to vector<16xi1>
      %masked_cumsum3A = tpu.scan <sum>, %convert_element_type3A_202 masked %broadcast_in_dim3A_204 : vector<16xi32>, vector<16xi1> -> vector<16xi32>
      %add3A_205 = arith.addi %scan3A_196, %masked_cumsum3A : vector<16xi32>
      %sub3A = arith.subi %add3A_205, %convert_element_type3A_202 : vector<16xi32>
      %mul3A_206 = arith.constant 16 : i32
      %mul3A_207 = arith.muli %scan3A_195, %mul3A_206 : i32
      %add3A_208 = arith.addi %mul3A_2, %mul3A_207 : i32
      %add3A_209 = vector.broadcast %add3A_208 : i32 to vector<16xi32>
      %add3A_210 = arith.addi %add3A_209, %iota3A : vector<16xi32>
      %shift_right_arithmetic3A = arith.constant 7 : i32
      %shift_right_arithmetic3A_211 = vector.broadcast %shift_right_arithmetic3A : i32 to vector<16xi32>
      %shift_right_arithmetic3A_212 = arith.shrsi %sub3A, %shift_right_arithmetic3A_211 : vector<16xi32>
      %and3A = arith.constant 127 : i32
      %and3A_213 = vector.broadcast %and3A : i32 to vector<16xi32>
      %and3A_214 = arith.andi %sub3A, %and3A_213 : vector<16xi32>
      tpu.vector_store_idx %arg9[%shift_right_arithmetic3A_212, %and3A_214], %get3A_199 masked %ge3A_201 : memref<70x128xi32, #tpu.memory_space<vmem>>[vector<16xi32>, vector<16xi32>], vector<16xi32>, vector<16xi1>
      %shift_right_arithmetic3A_215 = arith.constant 7 : i32
      %shift_right_arithmetic3A_216 = vector.broadcast %shift_right_arithmetic3A_215 : i32 to vector<16xi32>
      %shift_right_arithmetic3A_217 = arith.shrsi %sub3A, %shift_right_arithmetic3A_216 : vector<16xi32>
      %and3A_218 = arith.constant 127 : i32
      %and3A_219 = vector.broadcast %and3A_218 : i32 to vector<16xi32>
      %and3A_220 = arith.andi %sub3A, %and3A_219 : vector<16xi32>
      tpu.vector_store_idx %arg10[%shift_right_arithmetic3A_217, %and3A_220], %add3A_210 masked %ge3A_201 : memref<70x128xi32, #tpu.memory_space<vmem>>[vector<16xi32>, vector<16xi32>], vector<16xi32>, vector<16xi1>
      %all_reduce_population_count3A = tpu.all_reduce %ge3A_201 {dim = 0 : i64, kind = #tpu.reduction_kind<sum>} : vector<16xi1> -> vector<16xi32>
      %add3A_221 = arith.addi %scan3A_196, %all_reduce_population_count3A : vector<16xi32>
      scf.yield %add3A_221 : vector<16xi32>
    }
    %scan3A_152 = arith.constant 550 : i32
    %scan3A_153 = arith.constant 0 : i32
    %scan3A_154 = arith.constant 0 : i32
    %scan3A_155 = arith.constant 8 : i32
    %scan3A_156 = arith.addi %scan3A_154, %scan3A_155 : i32
    %scan3A_157 = arith.constant 1 : i32
    scf.for %scan3A_195 = %scan3A_154 to %scan3A_156 step %scan3A_157  : i32 {
      %mul3A_196 = arith.constant 16 : i32
      %mul3A_197 = arith.muli %scan3A_195, %mul3A_196 : i32
      %add3A_198 = vector.broadcast %mul3A_197 : i32 to vector<16xi32>
      %add3A_199 = arith.addi %scan3A_151, %add3A_198 : vector<16xi32>
      %add3A_200 = arith.addi %add3A_199, %iota3A : vector<16xi32>
      %shift_right_arithmetic3A = arith.constant 7 : i32
      %shift_right_arithmetic3A_201 = vector.broadcast %shift_right_arithmetic3A : i32 to vector<16xi32>
      %shift_right_arithmetic3A_202 = arith.shrsi %add3A_200, %shift_right_arithmetic3A_201 : vector<16xi32>
      %and3A = arith.constant 127 : i32
      %and3A_203 = vector.broadcast %and3A : i32 to vector<16xi32>
      %and3A_204 = arith.andi %add3A_200, %and3A_203 : vector<16xi32>
      %broadcast_in_dim3A_205 = arith.constant 0 : i32
      %broadcast_in_dim3A_206 = vector.broadcast %broadcast_in_dim3A_205 : i32 to vector<16xi32>
      tpu.vector_store_idx %arg9[%shift_right_arithmetic3A_202, %and3A_204], %broadcast_in_dim3A_206 : memref<70x128xi32, #tpu.memory_space<vmem>>[vector<16xi32>, vector<16xi32>], vector<16xi32>,
      %shift_right_arithmetic3A_207 = arith.constant 7 : i32
      %shift_right_arithmetic3A_208 = vector.broadcast %shift_right_arithmetic3A_207 : i32 to vector<16xi32>
      %shift_right_arithmetic3A_209 = arith.shrsi %add3A_200, %shift_right_arithmetic3A_208 : vector<16xi32>
      %and3A_210 = arith.constant 127 : i32
      %and3A_211 = vector.broadcast %and3A_210 : i32 to vector<16xi32>
      %and3A_212 = arith.andi %add3A_200, %and3A_211 : vector<16xi32>
      %sub3A = arith.subi %add3A_200, %scan3A_151 : vector<16xi32>
      %add3A_213 = arith.constant 281600 : i32
      %add3A_214 = vector.broadcast %add3A_213 : i32 to vector<16xi32>
      %add3A_215 = arith.addi %add3A_214, %sub3A : vector<16xi32>
      tpu.vector_store_idx %arg10[%shift_right_arithmetic3A_209, %and3A_212], %add3A_215 : memref<70x128xi32, #tpu.memory_space<vmem>>[vector<16xi32>, vector<16xi32>], vector<16xi32>,
    }
    %scan3A_158 = arith.constant 8 : i32
    %scan3A_159 = arith.constant 0 : i32
    %scan3A_160 = arith.constant 0 : i32
    %scan3A_161 = arith.constant 35 : i32
    %scan3A_162 = arith.addi %scan3A_160, %scan3A_161 : i32
    %scan3A_163 = arith.constant 1 : i32
    scf.for %scan3A_195 = %scan3A_160 to %scan3A_162 step %scan3A_163  : i32 {
      %mul3A_196 = arith.constant 2 : i32
      %mul3A_197 = arith.muli %scan3A_195, %mul3A_196 : i32
      %add3A_198 = arith.constant 1 : i32
      %add3A_199 = arith.addi %mul3A_197, %add3A_198 : i32
      %mul3A_200 = arith.constant 128 : i32
      %mul3A_201 = arith.muli %mul3A_197, %mul3A_200 : i32
      %gt3A_202 = vector.broadcast %mul3A_201 : i32 to vector<16xi32>
      %gt3A_203 = arith.cmpi sgt, %scan3A_151, %gt3A_202 : vector<16xi32>
      %reduce_or3A_204 = arith.constant 1.000000e+00 : f32
      %reduce_or3A_205 = arith.constant 0.000000e+00 : f32
      %reduce_or3A_206 = vector.broadcast %reduce_or3A_204 : f32 to vector<16xf32>
      %reduce_or3A_207 = vector.broadcast %reduce_or3A_205 : f32 to vector<16xf32>
      %reduce_or3A_208 = arith.select %gt3A_203, %reduce_or3A_206, %reduce_or3A_207 : vector<16xi1>, vector<16xf32>
      %reduce_or3A_209 = arith.constant true
      %reduce_or3A_210 = vector.broadcast %reduce_or3A_209 : i1 to vector<16xi1>
      %reduce_or3A_211 = tpu.scan <max>, %reduce_or3A_208 masked %reduce_or3A_210 : vector<16xf32>, vector<16xi1> -> vector<16xf32>
      %reduce_or3A_212 = vector.extract %reduce_or3A_211[15] : f32 from vector<16xf32>
      %reduce_or3A_213 = arith.constant 0.000000e+00 : f32
      %reduce_or3A_214 = arith.cmpf ogt, %reduce_or3A_212, %reduce_or3A_213 : f32
      %convert_element_type3A_215 = arith.extui %reduce_or3A_214 : i1 to i32
      %cond3A_216 = arith.constant 0 : i32
      %cond3A_217 = arith.cmpi ne, %convert_element_type3A_215, %cond3A_216 : i32
      scf.if %cond3A_217 {
        %gt3A_272 = arith.constant 0 : i32
        %gt3A_273 = arith.cmpi sgt, %scan3A_195, %gt3A_272 : i32
        %convert_element_type3A_274 = arith.extui %gt3A_273 : i1 to i32
        %cond3A_275 = arith.constant 0 : i32
        %cond3A_276 = arith.cmpi ne, %convert_element_type3A_274, %cond3A_275 : i32
        scf.if %cond3A_276 {
          %dma_wait3A_283 = arith.constant 0 : i32
          %dma_wait3A_284 = tpu.memref_slice %arg10[%mul3A_197, %dma_wait3A_283] : memref<70x128xi32, #tpu.memory_space<vmem>> -> memref<1x128xi32, #tpu.memory_space<vmem>>
          %dma_wait3A_285 = tpu.memref_squeeze %dma_wait3A_284 : memref<1x128xi32, #tpu.memory_space<vmem>> -> memref<128xi32, #tpu.memory_space<vmem>>
          %dma_wait3A_286 = arith.constant 0 : i32
          %dma_wait3A_287 = arith.constant 0 : i32
          %dma_wait3A_288 = tpu.memref_slice %arg4[%dma_wait3A_286, %dma_wait3A_287] : memref<281728x128xf32, #tpu.memory_space<hbm>> -> memref<281728x128xf32, #tpu.memory_space<hbm>>
          tpu.wait_indirect_dma semaphore(%arg17 : memref<!tpu.dma_semaphore, #tpu.memory_space<semaphore_mem>>) src(%arg11 : memref<128x128xf32, #tpu.memory_space<vmem>>) dst(%dma_wait3A_288 : memref<281728x128xf32, #tpu.memory_space<hbm>>)
        } else {
        }
        %dma_start3A_277 = arith.constant 0 : i32
        %dma_start3A_278 = tpu.memref_slice %arg9[%mul3A_197, %dma_start3A_277] : memref<70x128xi32, #tpu.memory_space<vmem>> -> memref<1x128xi32, #tpu.memory_space<vmem>>
        %dma_start3A_279 = tpu.memref_squeeze %dma_start3A_278 : memref<1x128xi32, #tpu.memory_space<vmem>> -> memref<128xi32, #tpu.memory_space<vmem>>
        %dma_start3A_280 = arith.constant 0 : i32
        %dma_start3A_281 = arith.constant 0 : i32
        %dma_start3A_282 = tpu.memref_slice %arg2[%dma_start3A_280, %dma_start3A_281] : memref<60000x128xf32, #tpu.memory_space<hbm>> -> memref<60000x128xf32, #tpu.memory_space<hbm>>
        tpu.enqueue_indirect_dma source(%dma_start3A_282 : memref<60000x128xf32, #tpu.memory_space<hbm>>) target(%arg11 : memref<128x128xf32, #tpu.memory_space<vmem>>) offsets(%dma_start3A_279 : memref<128xi32, #tpu.memory_space<vmem>>) semaphore(%arg15 : memref<!tpu.dma_semaphore, #tpu.memory_space<semaphore_mem>>)
      } else {
      }
      %mul3A_218 = arith.constant 128 : i32
      %mul3A_219 = arith.muli %add3A_199, %mul3A_218 : i32
      %gt3A_220 = vector.broadcast %mul3A_219 : i32 to vector<16xi32>
      %gt3A_221 = arith.cmpi sgt, %scan3A_151, %gt3A_220 : vector<16xi32>
      %reduce_or3A_222 = arith.constant 1.000000e+00 : f32
      %reduce_or3A_223 = arith.constant 0.000000e+00 : f32
      %reduce_or3A_224 = vector.broadcast %reduce_or3A_222 : f32 to vector<16xf32>
      %reduce_or3A_225 = vector.broadcast %reduce_or3A_223 : f32 to vector<16xf32>
      %reduce_or3A_226 = arith.select %gt3A_221, %reduce_or3A_224, %reduce_or3A_225 : vector<16xi1>, vector<16xf32>
      %reduce_or3A_227 = arith.constant true
      %reduce_or3A_228 = vector.broadcast %reduce_or3A_227 : i1 to vector<16xi1>
      %reduce_or3A_229 = tpu.scan <max>, %reduce_or3A_226 masked %reduce_or3A_228 : vector<16xf32>, vector<16xi1> -> vector<16xf32>
      %reduce_or3A_230 = vector.extract %reduce_or3A_229[15] : f32 from vector<16xf32>
      %reduce_or3A_231 = arith.constant 0.000000e+00 : f32
      %reduce_or3A_232 = arith.cmpf ogt, %reduce_or3A_230, %reduce_or3A_231 : f32
      %convert_element_type3A_233 = arith.extui %reduce_or3A_232 : i1 to i32
      %cond3A_234 = arith.constant 0 : i32
      %cond3A_235 = arith.cmpi ne, %convert_element_type3A_233, %cond3A_234 : i32
      scf.if %cond3A_235 {
        %gt3A_272 = arith.constant 0 : i32
        %gt3A_273 = arith.cmpi sgt, %scan3A_195, %gt3A_272 : i32
        %convert_element_type3A_274 = arith.extui %gt3A_273 : i1 to i32
        %cond3A_275 = arith.constant 0 : i32
        %cond3A_276 = arith.cmpi ne, %convert_element_type3A_274, %cond3A_275 : i32
        scf.if %cond3A_276 {
          %dma_wait3A_283 = arith.constant 0 : i32
          %dma_wait3A_284 = tpu.memref_slice %arg10[%add3A_199, %dma_wait3A_283] : memref<70x128xi32, #tpu.memory_space<vmem>> -> memref<1x128xi32, #tpu.memory_space<vmem>>
          %dma_wait3A_285 = tpu.memref_squeeze %dma_wait3A_284 : memref<1x128xi32, #tpu.memory_space<vmem>> -> memref<128xi32, #tpu.memory_space<vmem>>
          %dma_wait3A_286 = arith.constant 0 : i32
          %dma_wait3A_287 = arith.constant 0 : i32
          %dma_wait3A_288 = tpu.memref_slice %arg4[%dma_wait3A_286, %dma_wait3A_287] : memref<281728x128xf32, #tpu.memory_space<hbm>> -> memref<281728x128xf32, #tpu.memory_space<hbm>>
          tpu.wait_indirect_dma semaphore(%arg18 : memref<!tpu.dma_semaphore, #tpu.memory_space<semaphore_mem>>) src(%arg12 : memref<128x128xf32, #tpu.memory_space<vmem>>) dst(%dma_wait3A_288 : memref<281728x128xf32, #tpu.memory_space<hbm>>)
        } else {
        }
        %dma_start3A_277 = arith.constant 0 : i32
        %dma_start3A_278 = tpu.memref_slice %arg9[%add3A_199, %dma_start3A_277] : memref<70x128xi32, #tpu.memory_space<vmem>> -> memref<1x128xi32, #tpu.memory_space<vmem>>
        %dma_start3A_279 = tpu.memref_squeeze %dma_start3A_278 : memref<1x128xi32, #tpu.memory_space<vmem>> -> memref<128xi32, #tpu.memory_space<vmem>>
        %dma_start3A_280 = arith.constant 0 : i32
        %dma_start3A_281 = arith.constant 0 : i32
        %dma_start3A_282 = tpu.memref_slice %arg2[%dma_start3A_280, %dma_start3A_281] : memref<60000x128xf32, #tpu.memory_space<hbm>> -> memref<60000x128xf32, #tpu.memory_space<hbm>>
        tpu.enqueue_indirect_dma source(%dma_start3A_282 : memref<60000x128xf32, #tpu.memory_space<hbm>>) target(%arg12 : memref<128x128xf32, #tpu.memory_space<vmem>>) offsets(%dma_start3A_279 : memref<128xi32, #tpu.memory_space<vmem>>) semaphore(%arg16 : memref<!tpu.dma_semaphore, #tpu.memory_space<semaphore_mem>>)
      } else {
      }
      %mul3A_236 = arith.constant 128 : i32
      %mul3A_237 = arith.muli %mul3A_197, %mul3A_236 : i32
      %gt3A_238 = vector.broadcast %mul3A_237 : i32 to vector<16xi32>
      %gt3A_239 = arith.cmpi sgt, %scan3A_151, %gt3A_238 : vector<16xi32>
      %reduce_or3A_240 = arith.constant 1.000000e+00 : f32
      %reduce_or3A_241 = arith.constant 0.000000e+00 : f32
      %reduce_or3A_242 = vector.broadcast %reduce_or3A_240 : f32 to vector<16xf32>
      %reduce_or3A_243 = vector.broadcast %reduce_or3A_241 : f32 to vector<16xf32>
      %reduce_or3A_244 = arith.select %gt3A_239, %reduce_or3A_242, %reduce_or3A_243 : vector<16xi1>, vector<16xf32>
      %reduce_or3A_245 = arith.constant true
      %reduce_or3A_246 = vector.broadcast %reduce_or3A_245 : i1 to vector<16xi1>
      %reduce_or3A_247 = tpu.scan <max>, %reduce_or3A_244 masked %reduce_or3A_246 : vector<16xf32>, vector<16xi1> -> vector<16xf32>
      %reduce_or3A_248 = vector.extract %reduce_or3A_247[15] : f32 from vector<16xf32>
      %reduce_or3A_249 = arith.constant 0.000000e+00 : f32
      %reduce_or3A_250 = arith.cmpf ogt, %reduce_or3A_248, %reduce_or3A_249 : f32
      %convert_element_type3A_251 = arith.extui %reduce_or3A_250 : i1 to i32
      %cond3A_252 = arith.constant 0 : i32
      %cond3A_253 = arith.cmpi ne, %convert_element_type3A_251, %cond3A_252 : i32
      scf.if %cond3A_253 {
        %dma_wait3A_272 = arith.constant 0 : i32
        %dma_wait3A_273 = tpu.memref_slice %arg9[%mul3A_197, %dma_wait3A_272] : memref<70x128xi32, #tpu.memory_space<vmem>> -> memref<1x128xi32, #tpu.memory_space<vmem>>
        %dma_wait3A_274 = tpu.memref_squeeze %dma_wait3A_273 : memref<1x128xi32, #tpu.memory_space<vmem>> -> memref<128xi32, #tpu.memory_space<vmem>>
        %dma_wait3A_275 = arith.constant 0 : i32
        %dma_wait3A_276 = arith.constant 0 : i32
        %dma_wait3A_277 = tpu.memref_slice %arg2[%dma_wait3A_275, %dma_wait3A_276] : memref<60000x128xf32, #tpu.memory_space<hbm>> -> memref<60000x128xf32, #tpu.memory_space<hbm>>
        tpu.wait_indirect_dma semaphore(%arg15 : memref<!tpu.dma_semaphore, #tpu.memory_space<semaphore_mem>>) src(%dma_wait3A_277 : memref<60000x128xf32, #tpu.memory_space<hbm>>) dst(%arg11 : memref<128x128xf32, #tpu.memory_space<vmem>>)
        %dma_start3A_278 = arith.constant 0 : i32
        %dma_start3A_279 = tpu.memref_slice %arg10[%mul3A_197, %dma_start3A_278] : memref<70x128xi32, #tpu.memory_space<vmem>> -> memref<1x128xi32, #tpu.memory_space<vmem>>
        %dma_start3A_280 = tpu.memref_squeeze %dma_start3A_279 : memref<1x128xi32, #tpu.memory_space<vmem>> -> memref<128xi32, #tpu.memory_space<vmem>>
        %dma_start3A_281 = arith.constant 0 : i32
        %dma_start3A_282 = arith.constant 0 : i32
        %dma_start3A_283 = tpu.memref_slice %arg4[%dma_start3A_281, %dma_start3A_282] : memref<281728x128xf32, #tpu.memory_space<hbm>> -> memref<281728x128xf32, #tpu.memory_space<hbm>>
        tpu.enqueue_indirect_dma source(%arg11 : memref<128x128xf32, #tpu.memory_space<vmem>>) target(%dma_start3A_283 : memref<281728x128xf32, #tpu.memory_space<hbm>>) offsets(%dma_start3A_280 : memref<128xi32, #tpu.memory_space<vmem>>) semaphore(%arg17 : memref<!tpu.dma_semaphore, #tpu.memory_space<semaphore_mem>>)
      } else {
      }
      %mul3A_254 = arith.constant 128 : i32
      %mul3A_255 = arith.muli %add3A_199, %mul3A_254 : i32
      %gt3A_256 = vector.broadcast %mul3A_255 : i32 to vector<16xi32>
      %gt3A_257 = arith.cmpi sgt, %scan3A_151, %gt3A_256 : vector<16xi32>
      %reduce_or3A_258 = arith.constant 1.000000e+00 : f32
      %reduce_or3A_259 = arith.constant 0.000000e+00 : f32
      %reduce_or3A_260 = vector.broadcast %reduce_or3A_258 : f32 to vector<16xf32>
      %reduce_or3A_261 = vector.broadcast %reduce_or3A_259 : f32 to vector<16xf32>
      %reduce_or3A_262 = arith.select %gt3A_257, %reduce_or3A_260, %reduce_or3A_261 : vector<16xi1>, vector<16xf32>
      %reduce_or3A_263 = arith.constant true
      %reduce_or3A_264 = vector.broadcast %reduce_or3A_263 : i1 to vector<16xi1>
      %reduce_or3A_265 = tpu.scan <max>, %reduce_or3A_262 masked %reduce_or3A_264 : vector<16xf32>, vector<16xi1> -> vector<16xf32>
      %reduce_or3A_266 = vector.extract %reduce_or3A_265[15] : f32 from vector<16xf32>
      %reduce_or3A_267 = arith.constant 0.000000e+00 : f32
      %reduce_or3A_268 = arith.cmpf ogt, %reduce_or3A_266, %reduce_or3A_267 : f32
      %convert_element_type3A_269 = arith.extui %reduce_or3A_268 : i1 to i32
      %cond3A_270 = arith.constant 0 : i32
      %cond3A_271 = arith.cmpi ne, %convert_element_type3A_269, %cond3A_270 : i32
      scf.if %cond3A_271 {
        %dma_wait3A_272 = arith.constant 0 : i32
        %dma_wait3A_273 = tpu.memref_slice %arg9[%add3A_199, %dma_wait3A_272] : memref<70x128xi32, #tpu.memory_space<vmem>> -> memref<1x128xi32, #tpu.memory_space<vmem>>
        %dma_wait3A_274 = tpu.memref_squeeze %dma_wait3A_273 : memref<1x128xi32, #tpu.memory_space<vmem>> -> memref<128xi32, #tpu.memory_space<vmem>>
        %dma_wait3A_275 = arith.constant 0 : i32
        %dma_wait3A_276 = arith.constant 0 : i32
        %dma_wait3A_277 = tpu.memref_slice %arg2[%dma_wait3A_275, %dma_wait3A_276] : memref<60000x128xf32, #tpu.memory_space<hbm>> -> memref<60000x128xf32, #tpu.memory_space<hbm>>
        tpu.wait_indirect_dma semaphore(%arg16 : memref<!tpu.dma_semaphore, #tpu.memory_space<semaphore_mem>>) src(%dma_wait3A_277 : memref<60000x128xf32, #tpu.memory_space<hbm>>) dst(%arg12 : memref<128x128xf32, #tpu.memory_space<vmem>>)
        %dma_start3A_278 = arith.constant 0 : i32
        %dma_start3A_279 = tpu.memref_slice %arg10[%add3A_199, %dma_start3A_278] : memref<70x128xi32, #tpu.memory_space<vmem>> -> memref<1x128xi32, #tpu.memory_space<vmem>>
        %dma_start3A_280 = tpu.memref_squeeze %dma_start3A_279 : memref<1x128xi32, #tpu.memory_space<vmem>> -> memref<128xi32, #tpu.memory_space<vmem>>
        %dma_start3A_281 = arith.constant 0 : i32
        %dma_start3A_282 = arith.constant 0 : i32
        %dma_start3A_283 = tpu.memref_slice %arg4[%dma_start3A_281, %dma_start3A_282] : memref<281728x128xf32, #tpu.memory_space<hbm>> -> memref<281728x128xf32, #tpu.memory_space<hbm>>
        tpu.enqueue_indirect_dma source(%arg12 : memref<128x128xf32, #tpu.memory_space<vmem>>) target(%dma_start3A_283 : memref<281728x128xf32, #tpu.memory_space<hbm>>) offsets(%dma_start3A_280 : memref<128xi32, #tpu.memory_space<vmem>>) semaphore(%arg18 : memref<!tpu.dma_semaphore, #tpu.memory_space<semaphore_mem>>)
      } else {
      }
    }
    %scan3A_164 = arith.constant 35 : i32
    %gt3A = arith.constant 0 : i32
    %gt3A_165 = vector.broadcast %gt3A : i32 to vector<16xi32>
    %gt3A_166 = arith.cmpi sgt, %scan3A_151, %gt3A_165 : vector<16xi32>
    %reduce_or3A = arith.constant 1.000000e+00 : f32
    %reduce_or3A_167 = arith.constant 0.000000e+00 : f32
    %reduce_or3A_168 = vector.broadcast %reduce_or3A : f32 to vector<16xf32>
    %reduce_or3A_169 = vector.broadcast %reduce_or3A_167 : f32 to vector<16xf32>
    %reduce_or3A_170 = arith.select %gt3A_166, %reduce_or3A_168, %reduce_or3A_169 : vector<16xi1>, vector<16xf32>
    %reduce_or3A_171 = arith.constant true
    %reduce_or3A_172 = vector.broadcast %reduce_or3A_171 : i1 to vector<16xi1>
    %reduce_or3A_173 = tpu.scan <max>, %reduce_or3A_170 masked %reduce_or3A_172 : vector<16xf32>, vector<16xi1> -> vector<16xf32>
    %reduce_or3A_174 = vector.extract %reduce_or3A_173[15] : f32 from vector<16xf32>
    %reduce_or3A_175 = arith.constant 0.000000e+00 : f32
    %reduce_or3A_176 = arith.cmpf ogt, %reduce_or3A_174, %reduce_or3A_175 : f32
    %convert_element_type3A = arith.extui %reduce_or3A_176 : i1 to i32
    %cond3A = arith.constant 0 : i32
    %cond3A_177 = arith.cmpi ne, %convert_element_type3A, %cond3A : i32
    scf.if %cond3A_177 {
      %dma_wait3A_195 = arith.constant 0 : i32
      %dma_wait3A_196 = arith.constant 0 : i32
      %dma_wait3A_197 = tpu.memref_slice %arg10[%dma_wait3A_195, %dma_wait3A_196] : memref<70x128xi32, #tpu.memory_space<vmem>> -> memref<1x128xi32, #tpu.memory_space<vmem>>
      %dma_wait3A_198 = tpu.memref_squeeze %dma_wait3A_197 : memref<1x128xi32, #tpu.memory_space<vmem>> -> memref<128xi32, #tpu.memory_space<vmem>>
      %dma_wait3A_199 = arith.constant 0 : i32
      %dma_wait3A_200 = arith.constant 0 : i32
      %dma_wait3A_201 = tpu.memref_slice %arg4[%dma_wait3A_199, %dma_wait3A_200] : memref<281728x128xf32, #tpu.memory_space<hbm>> -> memref<281728x128xf32, #tpu.memory_space<hbm>>
      tpu.wait_indirect_dma semaphore(%arg17 : memref<!tpu.dma_semaphore, #tpu.memory_space<semaphore_mem>>) src(%arg11 : memref<128x128xf32, #tpu.memory_space<vmem>>) dst(%dma_wait3A_201 : memref<281728x128xf32, #tpu.memory_space<hbm>>)
    } else {
    }
    %gt3A_178 = arith.constant 128 : i32
    %gt3A_179 = vector.broadcast %gt3A_178 : i32 to vector<16xi32>
    %gt3A_180 = arith.cmpi sgt, %scan3A_151, %gt3A_179 : vector<16xi32>
    %reduce_or3A_181 = arith.constant 1.000000e+00 : f32
    %reduce_or3A_182 = arith.constant 0.000000e+00 : f32
    %reduce_or3A_183 = vector.broadcast %reduce_or3A_181 : f32 to vector<16xf32>
    %reduce_or3A_184 = vector.broadcast %reduce_or3A_182 : f32 to vector<16xf32>
    %reduce_or3A_185 = arith.select %gt3A_180, %reduce_or3A_183, %reduce_or3A_184 : vector<16xi1>, vector<16xf32>
    %reduce_or3A_186 = arith.constant true
    %reduce_or3A_187 = vector.broadcast %reduce_or3A_186 : i1 to vector<16xi1>
    %reduce_or3A_188 = tpu.scan <max>, %reduce_or3A_185 masked %reduce_or3A_187 : vector<16xf32>, vector<16xi1> -> vector<16xf32>
    %reduce_or3A_189 = vector.extract %reduce_or3A_188[15] : f32 from vector<16xf32>
    %reduce_or3A_190 = arith.constant 0.000000e+00 : f32
    %reduce_or3A_191 = arith.cmpf ogt, %reduce_or3A_189, %reduce_or3A_190 : f32
    %convert_element_type3A_192 = arith.extui %reduce_or3A_191 : i1 to i32
    %cond3A_193 = arith.constant 0 : i32
    %cond3A_194 = arith.cmpi ne, %convert_element_type3A_192, %cond3A_193 : i32
    scf.if %cond3A_194 {
      %dma_wait3A_195 = arith.constant 1 : i32
      %dma_wait3A_196 = arith.constant 0 : i32
      %dma_wait3A_197 = tpu.memref_slice %arg10[%dma_wait3A_195, %dma_wait3A_196] : memref<70x128xi32, #tpu.memory_space<vmem>> -> memref<1x128xi32, #tpu.memory_space<vmem>>
      %dma_wait3A_198 = tpu.memref_squeeze %dma_wait3A_197 : memref<1x128xi32, #tpu.memory_space<vmem>> -> memref<128xi32, #tpu.memory_space<vmem>>
      %dma_wait3A_199 = arith.constant 0 : i32
      %dma_wait3A_200 = arith.constant 0 : i32
      %dma_wait3A_201 = tpu.memref_slice %arg4[%dma_wait3A_199, %dma_wait3A_200] : memref<281728x128xf32, #tpu.memory_space<hbm>> -> memref<281728x128xf32, #tpu.memory_space<hbm>>
      tpu.wait_indirect_dma semaphore(%arg18 : memref<!tpu.dma_semaphore, #tpu.memory_space<semaphore_mem>>) src(%arg12 : memref<128x128xf32, #tpu.memory_space<vmem>>) dst(%dma_wait3A_201 : memref<281728x128xf32, #tpu.memory_space<hbm>>)
    } else {
    }
    return
  }
}

</mosaic_0001>

<sc_bundles>
// kernel: _sc_scatter.3.cloned.1.call-start
scs
__scs_entry_jumppad:
0x0: {  	(pc) =	sbr.rel $0x88, $3  }
0x1: {  	(tag) =	ssettag $0x0;
	lr =	simm.s32 $0x1  }
0x2: {  	[smem:$0x3F9F] =	sst lr;
	_ =	strace $0xD0000000  }
0x3: {  	_ = 	snop  }
0x4: {  	_ = 	snop  }
0x5: {  	_ = 	snop  }
0x6: {  	_ = 	snop  }
0x7: {  	_ = 	snop  }
__scs_overlays_trampoline_lowered:
0x8: {  	[smem:$0x3FAE] =	sst s0  }
0x9: {  	[smem:$0x3FAF] =	sst s1  }
0xa: {  	[smem:$0x3FB0] =	sst s2  }
0xb: {  	[smem:$0x3FB1] =	sst s3  }
0xc: {  	[smem:$0x3FB2] =	sst s4  }
0xd: {  	[smem:$0x3FB3] =	sst s5  }
0xe: {  	[smem:$0x3FB4] =	sst s6  }
0xf: {  	[smem:$0x3FB5] =	sst s7  }
0x10: {  	[smem:$0x3FB6] =	sst s8  }
0x11: {  	[smem:$0x3FB7] =	sst s9;
	s0 =	simm.s32 @!p0 $0x0  }
0x12: {  	s1 =	sld [smem:$0x3F9D];
	s0 =	simm.s32 @p0 $0x1  }
0x13: {  	[smem:$0x3FB8] =	sst s0;
	s0 =	simm.s32 @!p1 $0x0  }
0x14: {  	s2 =	sld [smem:$0x3F9C];
	s0 =	simm.s32 @p1 $0x1  }
0x15: {  	[smem:$0x3FB9] =	sst s0;
	s0 =	simm.s32 @!p2 $0x0  }
0x16: {  	s3 =	sld [smem:$0x3FDB];
	s0 =	simm.s32 @p2 $0x1  }
0x17: {  	s4 =	simm.s32 $0x1BF5;
	[smem:$0x3FBB] =	sst s0  }
0x18: {  	s0 =	sld [smem:$0x3F9E];
	_ =	swait.ge [sflag:s4], $0x0  }
0x19: {  	s7 =	sld [smem:$0x3F9F]  }
0x1a: {  	s8 =	sadd.s32 $0xFFFFE003, lr  }
0x1b: {  	s9 =	sadd.s32 $0xFFFFFEF7, lr;
	s5 =	simm.s32 $0xFFFFFFFF;
	p2 =	slt.u32 s8, $0xFFFFF086  }
0x1c: {  	p1 =	slt.u32 s9, $0xF7A;
	s5 =	simm.s32 @!p2 $0x0  }
0x1d: {  	s5 =	simm.s32 @p1 $0x1;
	p0 =	seq.s32 s7, s2  }
0x1e: {  	s7 =	smul.u32 @!p0 $0xF7A, s2;
	p2 =	seq.s32 @!p0 s5, $0x0  }
0x1f: {  	s9 =	smul.u32 $0xF7A, s1;
	s8 =	simm.s32 @!p0 $0x1BF5;
	p2 =	por !p2, p0  }
0x20: {  	[sflag:s8] =	ssyncset.s32 @!p0 $0xFFFFF086;
	s6 =	sadd.s32 @!p0 s3, s7;
	s7 =	simm.s32 @!p0 $0x108  }
0x21: {  	s3 =	sadd.s32 s3, s9;
	s6 =	sadd.s32 @!p0 $0x88, s6;
	s7 =	simm.s32 @p2 $0x1082  }
0x22: {  	[simem:s7], [sflag:s8] =	dma.local @!p0 [hbm:s6], $0xF7A  }
0x23: {  	s9 =	sor.u32 $0xD0000000, s2;
	s6 =	simm.s32 $0x108;
	_ =	swait.ge @!p0 [sflag:s8], $0x0  }
0x24: {  	s3 =	sadd.s32 $0x88, s3;
	s6 =	simm.s32 @!p1 $0x1082;
	[sflag:s4] =	ssyncset.s32 $0xFFFFF086  }
0x25: {  	[simem:s6], [sflag:s4] =	dma.local [hbm:s3], $0xF7A  }
0x26: {  	[smem:$0x3F9F] =	sst s1;
	(tag) =	ssettag s2;
	_ =	strace s9  }
0x27: {  	s1 =	sld [smem:$0x3FAF]  }
0x28: {  	s2 =	sld [smem:$0x3FB0]  }
0x29: {  	s4 =	sld [smem:$0x3FB2]  }
0x2a: {  	p0 =	seq.s32 s5, $0x0;
	s5 =	sld [smem:$0x3FB3]  }
0x2b: {  	s6 =	sld [smem:$0x3FB4]  }
0x2c: {  	s7 =	sld [smem:$0x3FB5]  }
0x2d: {  	s3 =	simm.s32 $0x108;
	s8 =	sld [smem:$0x3FB6]  }
0x2e: {  	s3 =	simm.s32 @!p0 $0x1082;
	s9 =	sld [smem:$0x3FB7]  }
0x2f: {  	lr =	sadd.s32 s0, s3;
	s0 =	sld [smem:$0x3FAE]  }
0x30: {  	s3 =	sld [smem:$0x3FB1]  }
0x31: {  	[smem:$0x3FBA] =	sst s10  }
0x32: {  	s10 =	sld [smem:$0x3FB8];
	_ =	sdelay $0x3  }
0x33: {  	p0 =	seq.s32 s10, $0x1;
	s10 =	sld [smem:$0x3FBA];
	_ =	sdelay $0x3  }
0x34: {  	[smem:$0x3FBA] =	sst s10  }
0x35: {  	s10 =	sld [smem:$0x3FB9];
	_ =	sdelay $0x3  }
0x36: {  	p1 =	seq.s32 s10, $0x1;
	s10 =	sld [smem:$0x3FBA];
	_ =	sdelay $0x3  }
0x37: {  	[smem:$0x3FBA] =	sst s10  }
0x38: {  	s10 =	sld [smem:$0x3FBB]  }
0x39: {  	_ = 	snop;
	(pc) =	sbr.ind lr, $3  }
0x3a: {  	_ = 	snop  }
0x3b: {  	_ = 	snop  }
0x3c: {  	p2 =	seq.s32 s10, $0x1;
	s10 =	sld [smem:$0x3FBA]  }
0x3d: {  	_ =	shalt  }
0x3e: {  	_ =	shalt  }
0x3f: {  	_ =	shalt  }
0x40: {  	_ =	shalt  }
0x41: {  	_ =	shalt  }
0x42: {  	_ =	shalt  }
0x43: {  	_ =	shalt  }
0x44: {  	_ =	shalt  }
0x45: {  	_ =	shalt  }
0x46: {  	_ =	shalt  }
0x47: {  	_ =	shalt  }
0x48: {  	_ =	shalt  }
0x49: {  	_ =	shalt  }
0x4a: {  	_ =	shalt  }
0x4b: {  	_ =	shalt  }
0x4c: {  	_ =	shalt  }
0x4d: {  	_ =	shalt  }
0x4e: {  	_ =	shalt  }
0x4f: {  	_ =	shalt  }
0x50: {  	_ =	shalt  }
0x51: {  	_ =	shalt  }
0x52: {  	_ =	shalt  }
0x53: {  	_ =	shalt  }
0x54: {  	_ =	shalt  }
0x55: {  	_ =	shalt  }
0x56: {  	_ =	shalt  }
0x57: {  	_ =	shalt  }
0x58: {  	_ =	shalt  }
0x59: {  	_ =	shalt  }
0x5a: {  	_ =	shalt  }
0x5b: {  	_ =	shalt  }
0x5c: {  	_ =	shalt  }
0x5d: {  	_ =	shalt  }
0x5e: {  	_ =	shalt  }
0x5f: {  	_ =	shalt  }
0x60: {  	_ =	shalt  }
0x61: {  	_ =	shalt  }
0x62: {  	_ =	shalt  }
0x63: {  	_ =	shalt  }
0x64: {  	_ =	shalt  }
0x65: {  	_ =	shalt  }
0x66: {  	_ =	shalt  }
0x67: {  	_ =	shalt  }
0x68: {  	_ =	shalt  }
0x69: {  	_ =	shalt  }
0x6a: {  	_ =	shalt  }
0x6b: {  	_ =	shalt  }
0x6c: {  	_ =	shalt  }
0x6d: {  	_ =	shalt  }
0x6e: {  	_ =	shalt  }
0x6f: {  	_ =	shalt  }
0x70: {  	_ =	shalt  }
0x71: {  	_ =	shalt  }
0x72: {  	_ =	shalt  }
0x73: {  	_ =	shalt  }
0x74: {  	_ =	shalt  }
0x75: {  	_ =	shalt  }
0x76: {  	_ =	shalt  }
0x77: {  	_ =	shalt  }
0x78: {  	_ =	shalt  }
0x79: {  	_ =	shalt  }
0x7a: {  	_ =	shalt  }
0x7b: {  	_ =	shalt  }
0x7c: {  	_ =	shalt  }
0x7d: {  	_ =	shalt  }
0x7e: {  	_ =	shalt  }
0x7f: {  	_ =	shalt  }
0x80: {  	_ =	shalt  }
0x81: {  	_ =	shalt  }
0x82: {  	_ =	shalt  }
0x83: {  	_ =	shalt  }
0x84: {  	_ =	shalt  }
0x85: {  	_ =	shalt  }
0x86: {  	_ =	shalt  }
0x87: {  	_ =	shalt  }
.Lfunc_end0:
.L_simem_size_0:
called_computation_lowered:
.L_overlay_start_0:
0x88: {  	s2 =	sld [smem:$0x3FD9]  }
0x89: {  	s3 =	sld [smem:$0x3FFE];
	_ =	sdelay $0x1  }
0x8a: {  	s1 =	srdreg.scid  }
0x8b: {  	s0 =	sand.u32 $0x1, s1  }
0x8c: {  	s15 =	sshll.u32 s0, $0xA;
	s2 =	sadd.s32 s3, s2  }
0x8d: {  	s2 =	sadd.s32 s2, s15  }
0x8e: {  	[smem:$0x3FC6] =	sst s2  }
0x8f: {  	_ = 	snop  }
0x90: {  	s2 =	sld [smem:$0x3FD0];
	_ =	sdelay $0x1  }
0x91: {  	s16 =	sld [smem:$0x3FC9]  }
0x92: {  	s5 =	simm.s32 $0xA;
	s6 =	simm.s32 $0x10;
	s4 =	sld [smem:$0x3FC8]  }
0x93: {  	[smem:s6], [sflag:s5] =	dma.local [hbm:s2], $0x1  }
0x94: {  	_ =	swait.eq [sflag:s5], $0x1  }
0x95: {  	[sflag:s5] =	ssyncset.done $0x0  }
0x96: {  	s17 =	sld [smem:$0x10];
	[sflag:s5] =	ssyncadd.s32 $0xFFFFFFFF  }
0x97: {  	s18 =	sld [smem:$0x11];
	(tm) =	ssettm $0x1  }
0x98: {  	s19 =	sld [smem:$0x3FFB];
	_ =	sdelay $0x3  }
0x99: {  	_ =	strace s19  }
0x9a: {  	s6 =	sld [smem:$0x3FFC];
	_ =	sdelay $0x3  }
0x9b: {  	_ =	strace s6  }
0x9c: {  	s6 =	sld [smem:$0x3FFD];
	_ =	sdelay $0x3  }
0x9d: {  	_ =	strace s6  }
0x9e: {  	_ =	strace $0x8FFFFFFF  }
0x9f: {  	s20 =	sld [smem:$0x3FDB];
	_ =	sdelay $0x1  }
0xa0: {  	s7 =	simm.s32 $_scs_section_size  }
0xa1: {  	s8 =	simm.s32 $_size__tile_overlayer_lowered;
	s9 =	simm.s32 $_tile_overlayer_lowered  }
0xa2: {  	s23 =	simm.s32 $0x1BFF;
	s22 =	sshll.u32 s9, $0x1;
	s6 =	sadd.s32 s7, s20  }
0xa3: {  	s10 =	simm.s32 $0x0;
	s21 =	sshll.u32 s8, $0x1;
	s8 =	sadd.s32 s22, s6  }
0xa4: {  	[timem:s10], [sflag:s23] =	dma.local [hbm:s8], s21  }
0xa5: {  	_ =	swait.ge [sflag:s23], s21  }
0xa6: {  	s7 =	ssub.s32 $0x0, s21;
	[sflag:s23] =	ssyncset.done $0x0  }
0xa7: {  	[sflag:s23] =	ssyncadd.s32 s7;
	_ =	sdelay $0x1  }
0xa8: {  	s24 =	simm.s32 $0x1B8B  }
0xa9: {  	_ =	swait.ge [sflag:s24], $0x1  }
0xaa: {  	[sflag:s24] =	ssyncset.done $0x0  }
0xab: {  	s25 =	simm.s32 $0x1B8E;
	[sflag:s24] =	ssyncadd.s32 $0xFFFFFFFF  }
0xac: {  	s26 =	simm.s32 $execute0_lowered;
	[smem:$0x3FD2] =	sst s25  }
0xad: {  	s7 =	sshll.u32 s26, $0x1;
	_ =	strace $0x80000046;
	[dreg:$0x1] =	wrdreg $0xFFFFFFFF  }
0xae: {  	s28 =	simm.s32 $_size_execute0_lowered;
	s6 =	sadd.s32 s6, s7;
	[dreg:$0x0] =	wrdreg $0x0  }
0xaf: {  	s7 =	sshll.u32 s28, $0x1;
	[dreg:$0x2] =	wrdreg s6  }
0xb0: {  	[dreg:$0x3] =	wrdreg s7  }
0xb1: {  	[dreg:$0x4] =	wrdreg $0xC0  }
0xb2: {  	_ =	task [dreg:s10], $0x5FFFF  }
0xb3: {  	[dreg:$0x1] =	wrdreg $0xFFFFFFFF  }
0xb4: {  	[dreg:$0x0] =	wrdreg $0x60  }
0xb5: {  	[dreg:$0x2] =	wrdreg s16  }
0xb6: {  	[dreg:$0x3] =	wrdreg s4  }
0xb7: {  	[dreg:$0x4] =	wrdreg s17  }
0xb8: {  	[dreg:$0x5] =	wrdreg s18  }
0xb9: {  	[dreg:$0x6] =	wrdreg $0x9  }
0xba: {  	_ =	task.clear_ibuf [dreg:s10], $0x7FFFF;
	_ =	strace $0x90000046  }
0xbb: {  	s29 =	simm.s32 $0x9;
	_ =	strace $0x80000048  }
0xbc: {  	_ =	swait.ge [sflag:s29], $0x1  }
0xbd: {  	[sflag:s29] =	ssyncadd.s32 $0xFFFFFFFF  }
0xbe: {  	_ =	strace $0x90000048  }
0xbf: {  	_ =	sfence  }
0xc0: {  	s30 =	sld [smem:$0x0];
	_ =	sdelay $0x2  }
0xc1: {  	s31 =	sshll.u32 s1, $0xD;
	s1 =	sshrl.u32 s1, $0x2  }
0xc2: {  	s3 =	sand.u32 $0x4000, s31;
	s1 =	sadd.s32 s1, s30  }
0xc3: {  	s0 =	sor.u32 s3, s0;
	s1 =	sshll.u32 s1, $0x11  }
0xc4: {  	s0 =	sor.u32 s1, s0  }
0xc5: {  	s0 =	sadd.s32 $0x8F2B, s0  }
0xc6: {  	[sflag:s0] =	ssyncadd.remote.s32 $0x1  }
0xc7: {  	_ =	sfence.sel $0xFFFF  }
0xc8: {  	[dreg:$0x0] =	wrdreg $0xFFFFFFFF;
	(pc) =	sbr.abs _section_cstart, $3  }
0xc9: {  	[dreg:$0x1] =	wrdreg $0xFFFFFFFF  }
0xca: {  	_ =	task.clear_ibuf [dreg:s10], $0x2FFFF;
	_ =	strace $0x9FFFFFFF  }
0xcb: {  	(tm) =	ssettm $0x7FFFFFFF  }
tec
execute0_lowered:
.L_overlay_start_1:
0x0: {  	(tag) =	ssettag $0x1  }
0x1: {  	s1 =	rddreg [dreg:$0x0]  }
0x2: {  	s10 =	rddreg [dreg:$0x1]  }
0x3: {  	s4 =	rddreg [dreg:$0x2]  }
0x4: {  	s0 =	rddreg [dreg:$0x3]  }
0x5: {  	s2 =	srdreg.scid;
	s8 =	stileid.u32;
	s5 =	simm.s32 $0x0  }
0x6: {  	s18 =	simm.s32 $0x1;
	[smem:$0x7FF] =	sst s5;
	s22 =	sadd.s32 $0x2EE, s10  }
0x7: {  	s9 =	sadd.s32 $0x5DC, s10;
	_ =	strace $0x80000047;
	[dreg:$0x5] =	wrdreg s22  }
0x8: {  	s19 =	simm.s32 $0x1780;
	s24 =	sadd.s32 $0x8CA, s10;
	[dreg:$0x6] =	wrdreg s9  }
0x9: {  	s20 =	simm.s32 $0x2F00;
	s25 =	sadd.s32 $0xBB8, s10;
	[dreg:$0x7] =	wrdreg s24  }
0xa: {  	s21 =	simm.s32 $0x2;
	s26 =	sadd.s32 $0xEA6, s10;
	[dreg:$0x8] =	wrdreg s25  }
0xb: {  	s2 =	sand.u32 $0x1, s2;
	s28 =	sadd.s32 $0x1194, s10;
	[dreg:$0x9] =	wrdreg s26  }
0xc: {  	s3 =	sshll.u32 s8, $0x1;
	s29 =	sadd.s32 $0x1482, s10;
	[dreg:$0xa] =	wrdreg s28  }
0xd: {  	s8 =	smul.u32 $0x44C0, s8;
	s30 =	sadd.s32 $0x1770, s10;
	[dreg:$0xb] =	wrdreg s29  }
0xe: {  	s10 =	sadd.s32 $0x1A5E, s10;
	s6 =	ssub.s32 $0x2, s2;
	[dreg:$0xc] =	wrdreg s30  }
0xf: {  	s3 =	sor.u32 s2, s3;
	s2 =	smul.u32 $0x2260, s2;
	[dreg:$0xd] =	wrdreg s10  }
0x10: {  	s22 =	simm.s32 $0x7;
	s7 =	sshrl.u32 s6, $0x1;
	s3 =	smul.u32 $0x2260, s3  }
0x11: {  	s24 =	simm.s32 $0x7580;
	s25 =	simm.s32 $0x0;
	s6 =	ssub.s32 s6, s7  }
0x12: {  	v2 =	vimm.s32 $0xFFFFFFFF;
	v3 =	vlaneseq.u32;
	v4 =	vimm.s32 $0x0;
	s17 =	sadd.s32 s2, s8;
	s23 =	sadd.s32 $0x2260, s3;
	s31 =	sshrl.u32 s3, $0x3  }
0x13: {  	v5 =	vimm.f32 $0.0e+00;
	s16 =	smax.u32 s6, $0x1;
	v0 =	vmov s3;
	s15 =	sadd.s32 s0, s31;
	v1 =	vmov s23;
	s23 =	simm.s32 $0x5180  }
.LBB2_1:
0x14: {  	s0 =	simm.s32 $0x40;
	s2 =	simm.s32 $0x0  }
.LBB2_2:
0x15: {  	p0 =	sne.s32 s0, $0x8940;
	[tilespmem:s2+$0x2F00] =	vst v2;
	s2 =	smov.u32 s0;
	s0 =	sadd.s32 $0x40, s0  }
.Ltmp0:
0x16: {  	(pc) =	sbr.rel @p0 .LBB2_2-.Ltmp0, $2  }
0x17: {  	_ =	sdelay $0x2  }
0x18: {  	s2 =	sshra.s32 s2, $0x2  }
0x19: {  	[tilespmem:s2+$0x2F00] =	vst v2;
	s0 =	rddreg [dreg:$0x1]  }
0x1a: {  	[tilespmem:s5], [sflag:$0x1] =	stream.linear.gather [hbm4b:s0+s5], $0x1770, $0x38;
	[tilespmem:$0x11980] =	vst v63  }
0x1b: {  	_ =	swait.ge [sflag:s18], $0x1770  }
0x1c: {  	s2 =	simm.s32 $0x20;
	[sflag:s18] =	ssyncset.done $0x0  }
0x1d: {  	s0 =	simm.s32 $0x20;
	s31 =	rddreg [dreg:$0x5];
	[sflag:s18] =	ssyncadd.s32 $0xFFFFE890  }
0x1e: {  	[tilespmem:s19], [sflag:$0x2] =	stream.linear.gather [hbm4b:s31+s5], $0x1770, $0x38;
	[tilespmem:$0x11980] =	vst v63  }
.LBB2_4:
0x1f: {  	v6 =	vld [tilespmem:s0+$0xFFFFFFE0];
	_ =	sdelay $0x4  }
0x20: {  	vm0 =	vge.s32 v6, v0;
	vm1 =	vlt.s32 v6, v1  }
0x21: {  	v6 =	vsub.s32 v6, v0;
	vm0 =	vmand vm0, vm1  }
0x22: {  	(xrf1) =	vunique.msk.u32 vm0, v6;
	_ =	sdelay $0xd  }
0x23: {  	_, v7, vm0 =	vpop (xrf1);
	_ =	sdelay $0x3  }
0x24: {  	s3 =	sadd.s32 $0xFFFFFFE0, s2  }
0x25: {  	v7 =	vor.u32 s3, v3  }
0x26: {  	[tilespmem:v6+s20+$0x0] =	vst.idx.msk vm0, v7  }
0x27: {  	v6 =	vld [tilespmem:s0+$0xFFFFFFF0];
	_ =	sdelay $0x4  }
0x28: {  	vm12 =	vge.s32 v6, v0;
	vm13 =	vlt.s32 v6, v1  }
0x29: {  	v6 =	vsub.s32 v6, v0;
	vm0 =	vmand vm12, vm13  }
0x2a: {  	(xrf1) =	vunique.msk.u32 vm0, v6;
	_ =	sdelay $0xd  }
0x2b: {  	_, v7, vm0 =	vpop (xrf1);
	_ =	sdelay $0x3  }
0x2c: {  	s31 =	sadd.s32 $0xFFFFFFF0, s2  }
0x2d: {  	v7 =	vor.u32 s31, v3  }
0x2e: {  	[tilespmem:v6+s20+$0x0] =	vst.idx.msk vm0, v7  }
0x2f: {  	v6 =	vld [tilespmem:s0+$0x0];
	_ =	sdelay $0x4  }
0x30: {  	vm14 =	vge.s32 v6, v0;
	vm15 =	vlt.s32 v6, v1  }
0x31: {  	v6 =	vsub.s32 v6, v0;
	vm0 =	vmand vm14, vm15  }
0x32: {  	(xrf1) =	vunique.msk.u32 vm0, v6;
	_ =	sdelay $0xd  }
0x33: {  	_, v7, vm0 =	vpop (xrf1)  }
0x34: {  	p0 =	sne.s32 s2, $0x1760  }
.Ltmp1:
0x35: {  	_ = 	snop;
	(pc) =	sbr.rel @p0 .LBB2_4-.Ltmp1, $3  }
0x36: {  	_ =	sdelay $0x1  }
0x37: {  	v7 =	vor.u32 s2, v3  }
0x38: {  	s0 =	sadd.s32 $0x30, s0;
	s2 =	sadd.s32 $0x30, s2;
	[tilespmem:v6+s20+$0x0] =	vst.idx.msk vm0, v7  }
0x39: {  	_ =	swait.ge [sflag:s21], $0x1770  }
0x3a: {  	[sflag:s21] =	ssyncset.done $0x0  }
0x3b: {  	s0 =	rddreg [dreg:$0x6];
	[sflag:s21] =	ssyncadd.s32 $0xFFFFE890  }
0x3c: {  	[tilespmem:s5], [sflag:$0x1] =	stream.linear.gather [hbm4b:s0+s5], $0x1770, $0x38;
	[tilespmem:$0x11980] =	vst v63  }
0x3d: {  	s2 =	simm.s32 $0x17A0;
	s0 =	simm.s32 $0x1770  }
.LBB2_6:
0x3e: {  	v6 =	vld [tilespmem:s2+$0xFFFFFFE0];
	_ =	sdelay $0x4  }
0x3f: {  	vm0 =	vge.s32 v6, v0;
	vm1 =	vlt.s32 v6, v1  }
0x40: {  	v6 =	vsub.s32 v6, v0;
	vm0 =	vmand vm0, vm1  }
0x41: {  	(xrf1) =	vunique.msk.u32 vm0, v6;
	_ =	sdelay $0xd  }
0x42: {  	_, v7, vm0 =	vpop (xrf1);
	_ =	sdelay $0x4  }
0x43: {  	v7 =	vor.u32 s0, v3  }
0x44: {  	[tilespmem:v6+s20+$0x0] =	vst.idx.msk vm0, v7  }
0x45: {  	v6 =	vld [tilespmem:s2+$0xFFFFFFF0];
	_ =	sdelay $0x4  }
0x46: {  	vm12 =	vge.s32 v6, v0;
	vm13 =	vlt.s32 v6, v1  }
0x47: {  	v6 =	vsub.s32 v6, v0;
	vm0 =	vmand vm12, vm13  }
0x48: {  	(xrf1) =	vunique.msk.u32 vm0, v6;
	_ =	sdelay $0xd  }
0x49: {  	_, v7, vm0 =	vpop (xrf1);
	_ =	sdelay $0x3  }
0x4a: {  	s3 =	sadd.s32 $0x10, s0  }
0x4b: {  	v7 =	vor.u32 s3, v3  }
0x4c: {  	[tilespmem:v6+s20+$0x0] =	vst.idx.msk vm0, v7  }
0x4d: {  	v6 =	vld [tilespmem:s2+$0x0];
	_ =	sdelay $0x4  }
0x4e: {  	vm14 =	vge.s32 v6, v0;
	vm15 =	vlt.s32 v6, v1  }
0x4f: {  	v6 =	vsub.s32 v6, v0;
	vm0 =	vmand vm14, vm15  }
0x50: {  	(xrf1) =	vunique.msk.u32 vm0, v6;
	_ =	sdelay $0xd  }
0x51: {  	_, v7, vm0 =	vpop (xrf1)  }
0x52: {  	p0 =	sne.s32 s0, $0x2EB0  }
.Ltmp2:
0x53: {  	_ = 	snop;
	(pc) =	sbr.rel @p0 .LBB2_6-.Ltmp2, $4  }
0x54: {  	_ = 	snop  }
0x55: {  	s31 =	sadd.s32 $0x20, s0  }
0x56: {  	v7 =	vor.u32 s31, v3  }
0x57: {  	s0 =	sadd.s32 $0x30, s0;
	s2 =	sadd.s32 $0x30, s2;
	[tilespmem:v6+s20+$0x0] =	vst.idx.msk vm0, v7  }
0x58: {  	_ =	swait.ge [sflag:s18], $0x1770  }
0x59: {  	[sflag:s18] =	ssyncset.done $0x0  }
0x5a: {  	s0 =	rddreg [dreg:$0x7];
	[sflag:s18] =	ssyncadd.s32 $0xFFFFE890  }
0x5b: {  	[tilespmem:s19], [sflag:$0x2] =	stream.linear.gather [hbm4b:s0+s5], $0x1770, $0x38;
	[tilespmem:$0x11980] =	vst v63  }
0x5c: {  	s2 =	simm.s32 $0x20;
	s0 =	simm.s32 $0x2EE0  }
.LBB2_8:
0x5d: {  	v6 =	vld [tilespmem:s2+$0xFFFFFFE0];
	_ =	sdelay $0x4  }
0x5e: {  	vm0 =	vge.s32 v6, v0;
	vm1 =	vlt.s32 v6, v1  }
0x5f: {  	v6 =	vsub.s32 v6, v0;
	vm0 =	vmand vm0, vm1  }
0x60: {  	(xrf1) =	vunique.msk.u32 vm0, v6;
	_ =	sdelay $0xd  }
0x61: {  	_, v7, vm0 =	vpop (xrf1);
	_ =	sdelay $0x4  }
0x62: {  	v7 =	vor.u32 s0, v3  }
0x63: {  	[tilespmem:v6+s20+$0x0] =	vst.idx.msk vm0, v7  }
0x64: {  	v6 =	vld [tilespmem:s2+$0xFFFFFFF0];
	_ =	sdelay $0x4  }
0x65: {  	vm12 =	vge.s32 v6, v0;
	vm13 =	vlt.s32 v6, v1  }
0x66: {  	v6 =	vsub.s32 v6, v0;
	vm0 =	vmand vm12, vm13  }
0x67: {  	(xrf1) =	vunique.msk.u32 vm0, v6;
	_ =	sdelay $0xd  }
0x68: {  	_, v7, vm0 =	vpop (xrf1);
	_ =	sdelay $0x3  }
0x69: {  	s3 =	sadd.s32 $0x10, s0  }
0x6a: {  	v7 =	vor.u32 s3, v3  }
0x6b: {  	[tilespmem:v6+s20+$0x0] =	vst.idx.msk vm0, v7  }
0x6c: {  	v6 =	vld [tilespmem:s2+$0x0];
	_ =	sdelay $0x4  }
0x6d: {  	vm14 =	vge.s32 v6, v0;
	vm15 =	vlt.s32 v6, v1  }
0x6e: {  	v6 =	vsub.s32 v6, v0;
	vm0 =	vmand vm14, vm15  }
0x6f: {  	(xrf1) =	vunique.msk.u32 vm0, v6;
	_ =	sdelay $0xd  }
0x70: {  	_, v7, vm0 =	vpop (xrf1)  }
0x71: {  	p0 =	sne.s32 s0, $0x4620  }
.Ltmp3:
0x72: {  	_ = 	snop;
	(pc) =	sbr.rel @p0 .LBB2_8-.Ltmp3, $4  }
0x73: {  	_ = 	snop  }
0x74: {  	s31 =	sadd.s32 $0x20, s0  }
0x75: {  	v7 =	vor.u32 s31, v3  }
0x76: {  	s0 =	sadd.s32 $0x30, s0;
	s2 =	sadd.s32 $0x30, s2;
	[tilespmem:v6+s20+$0x0] =	vst.idx.msk vm0, v7  }
0x77: {  	_ =	swait.ge [sflag:s21], $0x1770  }
0x78: {  	[sflag:s21] =	ssyncset.done $0x0  }
0x79: {  	s0 =	rddreg [dreg:$0x8];
	[sflag:s21] =	ssyncadd.s32 $0xFFFFE890  }
0x7a: {  	[tilespmem:s5], [sflag:$0x1] =	stream.linear.gather [hbm4b:s0+s5], $0x1770, $0x38;
	[tilespmem:$0x11980] =	vst v63  }
0x7b: {  	s2 =	simm.s32 $0x17A0;
	s0 =	simm.s32 $0x4650  }
.LBB2_10:
0x7c: {  	v6 =	vld [tilespmem:s2+$0xFFFFFFE0];
	_ =	sdelay $0x4  }
0x7d: {  	vm0 =	vge.s32 v6, v0;
	vm1 =	vlt.s32 v6, v1  }
0x7e: {  	v6 =	vsub.s32 v6, v0;
	vm0 =	vmand vm0, vm1  }
0x7f: {  	(xrf1) =	vunique.msk.u32 vm0, v6;
	_ =	sdelay $0xd  }
0x80: {  	_, v7, vm0 =	vpop (xrf1);
	_ =	sdelay $0x4  }
0x81: {  	v7 =	vor.u32 s0, v3  }
0x82: {  	[tilespmem:v6+s20+$0x0] =	vst.idx.msk vm0, v7  }
0x83: {  	v6 =	vld [tilespmem:s2+$0xFFFFFFF0];
	_ =	sdelay $0x4  }
0x84: {  	vm12 =	vge.s32 v6, v0;
	vm13 =	vlt.s32 v6, v1  }
0x85: {  	v6 =	vsub.s32 v6, v0;
	vm0 =	vmand vm12, vm13  }
0x86: {  	(xrf1) =	vunique.msk.u32 vm0, v6;
	_ =	sdelay $0xd  }
0x87: {  	_, v7, vm0 =	vpop (xrf1);
	_ =	sdelay $0x3  }
0x88: {  	s3 =	sadd.s32 $0x10, s0  }
0x89: {  	v7 =	vor.u32 s3, v3  }
0x8a: {  	[tilespmem:v6+s20+$0x0] =	vst.idx.msk vm0, v7  }
0x8b: {  	v6 =	vld [tilespmem:s2+$0x0];
	_ =	sdelay $0x4  }
0x8c: {  	vm14 =	vge.s32 v6, v0;
	vm15 =	vlt.s32 v6, v1  }
0x8d: {  	v6 =	vsub.s32 v6, v0;
	vm0 =	vmand vm14, vm15  }
0x8e: {  	(xrf1) =	vunique.msk.u32 vm0, v6;
	_ =	sdelay $0xd  }
0x8f: {  	_, v7, vm0 =	vpop (xrf1)  }
0x90: {  	p0 =	sne.s32 s0, $0x5D90  }
.Ltmp4:
0x91: {  	_ = 	snop;
	(pc) =	sbr.rel @p0 .LBB2_10-.Ltmp4, $4  }
0x92: {  	_ = 	snop  }
0x93: {  	s31 =	sadd.s32 $0x20, s0  }
0x94: {  	v7 =	vor.u32 s31, v3  }
0x95: {  	s0 =	sadd.s32 $0x30, s0;
	s2 =	sadd.s32 $0x30, s2;
	[tilespmem:v6+s20+$0x0] =	vst.idx.msk vm0, v7  }
0x96: {  	_ =	swait.ge [sflag:s18], $0x1770  }
0x97: {  	[sflag:s18] =	ssyncset.done $0x0  }
0x98: {  	s0 =	rddreg [dreg:$0x9];
	[sflag:s18] =	ssyncadd.s32 $0xFFFFE890  }
0x99: {  	[tilespmem:s19], [sflag:$0x2] =	stream.linear.gather [hbm4b:s0+s5], $0x1770, $0x38;
	[tilespmem:$0x11980] =	vst v63  }
0x9a: {  	s2 =	simm.s32 $0x20;
	s0 =	simm.s32 $0x5DC0  }
.LBB2_12:
0x9b: {  	v6 =	vld [tilespmem:s2+$0xFFFFFFE0];
	_ =	sdelay $0x4  }
0x9c: {  	vm0 =	vge.s32 v6, v0;
	vm1 =	vlt.s32 v6, v1  }
0x9d: {  	v6 =	vsub.s32 v6, v0;
	vm0 =	vmand vm0, vm1  }
0x9e: {  	(xrf1) =	vunique.msk.u32 vm0, v6;
	_ =	sdelay $0xd  }
0x9f: {  	_, v7, vm0 =	vpop (xrf1);
	_ =	sdelay $0x4  }
0xa0: {  	v7 =	vor.u32 s0, v3  }
0xa1: {  	[tilespmem:v6+s20+$0x0] =	vst.idx.msk vm0, v7  }
0xa2: {  	v6 =	vld [tilespmem:s2+$0xFFFFFFF0];
	_ =	sdelay $0x4  }
0xa3: {  	vm12 =	vge.s32 v6, v0;
	vm13 =	vlt.s32 v6, v1  }
0xa4: {  	v6 =	vsub.s32 v6, v0;
	vm0 =	vmand vm12, vm13  }
0xa5: {  	(xrf1) =	vunique.msk.u32 vm0, v6;
	_ =	sdelay $0xd  }
0xa6: {  	_, v7, vm0 =	vpop (xrf1);
	_ =	sdelay $0x3  }
0xa7: {  	s3 =	sadd.s32 $0x10, s0  }
0xa8: {  	v7 =	vor.u32 s3, v3  }
0xa9: {  	[tilespmem:v6+s20+$0x0] =	vst.idx.msk vm0, v7  }
0xaa: {  	v6 =	vld [tilespmem:s2+$0x0];
	_ =	sdelay $0x4  }
0xab: {  	vm14 =	vge.s32 v6, v0;
	vm15 =	vlt.s32 v6, v1  }
0xac: {  	v6 =	vsub.s32 v6, v0;
	vm0 =	vmand vm14, vm15  }
0xad: {  	(xrf1) =	vunique.msk.u32 vm0, v6;
	_ =	sdelay $0xd  }
0xae: {  	_, v7, vm0 =	vpop (xrf1)  }
0xaf: {  	p0 =	sne.s32 s0, $0x7500  }
.Ltmp5:
0xb0: {  	_ = 	snop;
	(pc) =	sbr.rel @p0 .LBB2_12-.Ltmp5, $4  }
0xb1: {  	_ = 	snop  }
0xb2: {  	s31 =	sadd.s32 $0x20, s0  }
0xb3: {  	v7 =	vor.u32 s31, v3  }
0xb4: {  	s0 =	sadd.s32 $0x30, s0;
	s2 =	sadd.s32 $0x30, s2;
	[tilespmem:v6+s20+$0x0] =	vst.idx.msk vm0, v7  }
0xb5: {  	_ =	swait.ge [sflag:s21], $0x1770  }
0xb6: {  	[sflag:s21] =	ssyncset.done $0x0  }
0xb7: {  	s0 =	rddreg [dreg:$0xa];
	[sflag:s21] =	ssyncadd.s32 $0xFFFFE890  }
0xb8: {  	[tilespmem:s5], [sflag:$0x1] =	stream.linear.gather [hbm4b:s0+s5], $0x1770, $0x38;
	[tilespmem:$0x11980] =	vst v63  }
0xb9: {  	s2 =	simm.s32 $0x17A0;
	s0 =	simm.s32 $0x7530  }
.LBB2_14:
0xba: {  	v6 =	vld [tilespmem:s2+$0xFFFFFFE0];
	_ =	sdelay $0x4  }
0xbb: {  	vm0 =	vge.s32 v6, v0;
	vm1 =	vlt.s32 v6, v1  }
0xbc: {  	v6 =	vsub.s32 v6, v0;
	vm0 =	vmand vm0, vm1  }
0xbd: {  	(xrf1) =	vunique.msk.u32 vm0, v6;
	_ =	sdelay $0xd  }
0xbe: {  	_, v7, vm0 =	vpop (xrf1);
	_ =	sdelay $0x4  }
0xbf: {  	v7 =	vor.u32 s0, v3  }
0xc0: {  	[tilespmem:v6+s20+$0x0] =	vst.idx.msk vm0, v7  }
0xc1: {  	v6 =	vld [tilespmem:s2+$0xFFFFFFF0];
	_ =	sdelay $0x4  }
0xc2: {  	vm12 =	vge.s32 v6, v0;
	vm13 =	vlt.s32 v6, v1  }
0xc3: {  	v6 =	vsub.s32 v6, v0;
	vm0 =	vmand vm12, vm13  }
0xc4: {  	(xrf1) =	vunique.msk.u32 vm0, v6;
	_ =	sdelay $0xd  }
0xc5: {  	_, v7, vm0 =	vpop (xrf1);
	_ =	sdelay $0x3  }
0xc6: {  	s3 =	sadd.s32 $0x10, s0  }
0xc7: {  	v7 =	vor.u32 s3, v3  }
0xc8: {  	[tilespmem:v6+s20+$0x0] =	vst.idx.msk vm0, v7  }
0xc9: {  	v6 =	vld [tilespmem:s2+$0x0];
	_ =	sdelay $0x4  }
0xca: {  	vm14 =	vge.s32 v6, v0;
	vm15 =	vlt.s32 v6, v1  }
0xcb: {  	v6 =	vsub.s32 v6, v0;
	vm0 =	vmand vm14, vm15  }
0xcc: {  	(xrf1) =	vunique.msk.u32 vm0, v6;
	_ =	sdelay $0xd  }
0xcd: {  	_, v7, vm0 =	vpop (xrf1)  }
0xce: {  	p0 =	sne.s32 s0, $0x8C70  }
.Ltmp6:
0xcf: {  	_ = 	snop;
	(pc) =	sbr.rel @p0 .LBB2_14-.Ltmp6, $4  }
0xd0: {  	_ = 	snop  }
0xd1: {  	s31 =	sadd.s32 $0x20, s0  }
0xd2: {  	v7 =	vor.u32 s31, v3  }
0xd3: {  	s0 =	sadd.s32 $0x30, s0;
	s2 =	sadd.s32 $0x30, s2;
	[tilespmem:v6+s20+$0x0] =	vst.idx.msk vm0, v7  }
0xd4: {  	_ =	swait.ge [sflag:s18], $0x1770  }
0xd5: {  	[sflag:s18] =	ssyncset.done $0x0  }
0xd6: {  	s0 =	rddreg [dreg:$0xb];
	[sflag:s18] =	ssyncadd.s32 $0xFFFFE890  }
0xd7: {  	[tilespmem:s19], [sflag:$0x2] =	stream.linear.gather [hbm4b:s0+s5], $0x1770, $0x38;
	[tilespmem:$0x11980] =	vst v63  }
0xd8: {  	s2 =	simm.s32 $0x20;
	s0 =	simm.s32 $0x8CA0  }
.LBB2_16:
0xd9: {  	v6 =	vld [tilespmem:s2+$0xFFFFFFE0];
	_ =	sdelay $0x4  }
0xda: {  	vm0 =	vge.s32 v6, v0;
	vm1 =	vlt.s32 v6, v1  }
0xdb: {  	v6 =	vsub.s32 v6, v0;
	vm0 =	vmand vm0, vm1  }
0xdc: {  	(xrf1) =	vunique.msk.u32 vm0, v6;
	_ =	sdelay $0xd  }
0xdd: {  	_, v7, vm0 =	vpop (xrf1);
	_ =	sdelay $0x4  }
0xde: {  	v7 =	vor.u32 s0, v3  }
0xdf: {  	[tilespmem:v6+s20+$0x0] =	vst.idx.msk vm0, v7  }
0xe0: {  	v6 =	vld [tilespmem:s2+$0xFFFFFFF0];
	_ =	sdelay $0x4  }
0xe1: {  	vm12 =	vge.s32 v6, v0;
	vm13 =	vlt.s32 v6, v1  }
0xe2: {  	v6 =	vsub.s32 v6, v0;
	vm0 =	vmand vm12, vm13  }
0xe3: {  	(xrf1) =	vunique.msk.u32 vm0, v6;
	_ =	sdelay $0xd  }
0xe4: {  	_, v7, vm0 =	vpop (xrf1);
	_ =	sdelay $0x3  }
0xe5: {  	s3 =	sadd.s32 $0x10, s0  }
0xe6: {  	v7 =	vor.u32 s3, v3  }
0xe7: {  	[tilespmem:v6+s20+$0x0] =	vst.idx.msk vm0, v7  }
0xe8: {  	v6 =	vld [tilespmem:s2+$0x0];
	_ =	sdelay $0x4  }
0xe9: {  	vm14 =	vge.s32 v6, v0;
	vm15 =	vlt.s32 v6, v1  }
0xea: {  	v6 =	vsub.s32 v6, v0;
	vm0 =	vmand vm14, vm15  }
0xeb: {  	(xrf1) =	vunique.msk.u32 vm0, v6;
	_ =	sdelay $0xd  }
0xec: {  	_, v7, vm0 =	vpop (xrf1)  }
0xed: {  	p0 =	sne.s32 s0, $0xA3E0  }
.Ltmp7:
0xee: {  	_ = 	snop;
	(pc) =	sbr.rel @p0 .LBB2_16-.Ltmp7, $4  }
0xef: {  	_ = 	snop  }
0xf0: {  	s31 =	sadd.s32 $0x20, s0  }
0xf1: {  	v7 =	vor.u32 s31, v3  }
0xf2: {  	s0 =	sadd.s32 $0x30, s0;
	s2 =	sadd.s32 $0x30, s2;
	[tilespmem:v6+s20+$0x0] =	vst.idx.msk vm0, v7  }
0xf3: {  	_ =	swait.ge [sflag:s21], $0x1770  }
0xf4: {  	[sflag:s21] =	ssyncset.done $0x0  }
0xf5: {  	s0 =	rddreg [dreg:$0xc];
	[sflag:s21] =	ssyncadd.s32 $0xFFFFE890  }
0xf6: {  	[tilespmem:s5], [sflag:$0x1] =	stream.linear.gather [hbm4b:s0+s5], $0x1770, $0x38;
	[tilespmem:$0x11980] =	vst v63  }
0xf7: {  	s2 =	simm.s32 $0x17A0;
	s0 =	simm.s32 $0xA410  }
.LBB2_18:
0xf8: {  	v6 =	vld [tilespmem:s2+$0xFFFFFFE0];
	_ =	sdelay $0x4  }
0xf9: {  	vm0 =	vge.s32 v6, v0;
	vm1 =	vlt.s32 v6, v1  }
0xfa: {  	v6 =	vsub.s32 v6, v0;
	vm0 =	vmand vm0, vm1  }
0xfb: {  	(xrf1) =	vunique.msk.u32 vm0, v6;
	_ =	sdelay $0xd  }
0xfc: {  	_, v7, vm0 =	vpop (xrf1);
	_ =	sdelay $0x4  }
0xfd: {  	v7 =	vor.u32 s0, v3  }
0xfe: {  	[tilespmem:v6+s20+$0x0] =	vst.idx.msk vm0, v7  }
0xff: {  	v6 =	vld [tilespmem:s2+$0xFFFFFFF0];
	_ =	sdelay $0x4  }
0x100: {  	vm12 =	vge.s32 v6, v0;
	vm13 =	vlt.s32 v6, v1  }
0x101: {  	v6 =	vsub.s32 v6, v0;
	vm0 =	vmand vm12, vm13  }
0x102: {  	(xrf1) =	vunique.msk.u32 vm0, v6;
	_ =	sdelay $0xd  }
0x103: {  	_, v7, vm0 =	vpop (xrf1);
	_ =	sdelay $0x3  }
0x104: {  	s3 =	sadd.s32 $0x10, s0  }
0x105: {  	v7 =	vor.u32 s3, v3  }
0x106: {  	[tilespmem:v6+s20+$0x0] =	vst.idx.msk vm0, v7  }
0x107: {  	v6 =	vld [tilespmem:s2+$0x0];
	_ =	sdelay $0x4  }
0x108: {  	vm14 =	vge.s32 v6, v0;
	vm15 =	vlt.s32 v6, v1  }
0x109: {  	v6 =	vsub.s32 v6, v0;
	vm0 =	vmand vm14, vm15  }
0x10a: {  	(xrf1) =	vunique.msk.u32 vm0, v6;
	_ =	sdelay $0xd  }
0x10b: {  	_, v7, vm0 =	vpop (xrf1)  }
0x10c: {  	p0 =	sne.s32 s0, $0xBB50  }
.Ltmp8:
0x10d: {  	_ = 	snop;
	(pc) =	sbr.rel @p0 .LBB2_18-.Ltmp8, $4  }
0x10e: {  	_ = 	snop  }
0x10f: {  	s31 =	sadd.s32 $0x20, s0  }
0x110: {  	v7 =	vor.u32 s31, v3  }
0x111: {  	s0 =	sadd.s32 $0x30, s0;
	s2 =	sadd.s32 $0x30, s2;
	[tilespmem:v6+s20+$0x0] =	vst.idx.msk vm0, v7  }
0x112: {  	_ =	swait.ge [sflag:s18], $0x1770  }
0x113: {  	[sflag:s18] =	ssyncset.done $0x0  }
0x114: {  	s0 =	rddreg [dreg:$0xd];
	[sflag:s18] =	ssyncadd.s32 $0xFFFFE890  }
0x115: {  	[tilespmem:s19], [sflag:$0x2] =	stream.linear.gather [hbm4b:s0+s5], $0x1770, $0x38;
	[tilespmem:$0x11980] =	vst v63  }
0x116: {  	s2 =	simm.s32 $0x20;
	s0 =	simm.s32 $0xBB80  }
.LBB2_20:
0x117: {  	v6 =	vld [tilespmem:s2+$0xFFFFFFE0];
	_ =	sdelay $0x4  }
0x118: {  	vm0 =	vge.s32 v6, v0;
	vm1 =	vlt.s32 v6, v1  }
0x119: {  	v6 =	vsub.s32 v6, v0;
	vm0 =	vmand vm0, vm1  }
0x11a: {  	(xrf1) =	vunique.msk.u32 vm0, v6;
	_ =	sdelay $0xd  }
0x11b: {  	_, v7, vm0 =	vpop (xrf1);
	_ =	sdelay $0x4  }
0x11c: {  	v7 =	vor.u32 s0, v3  }
0x11d: {  	[tilespmem:v6+s20+$0x0] =	vst.idx.msk vm0, v7  }
0x11e: {  	v6 =	vld [tilespmem:s2+$0xFFFFFFF0];
	_ =	sdelay $0x4  }
0x11f: {  	vm12 =	vge.s32 v6, v0;
	vm13 =	vlt.s32 v6, v1  }
0x120: {  	v6 =	vsub.s32 v6, v0;
	vm0 =	vmand vm12, vm13  }
0x121: {  	(xrf1) =	vunique.msk.u32 vm0, v6;
	_ =	sdelay $0xd  }
0x122: {  	_, v7, vm0 =	vpop (xrf1);
	_ =	sdelay $0x3  }
0x123: {  	s3 =	sadd.s32 $0x10, s0  }
0x124: {  	v7 =	vor.u32 s3, v3  }
0x125: {  	[tilespmem:v6+s20+$0x0] =	vst.idx.msk vm0, v7  }
0x126: {  	v6 =	vld [tilespmem:s2+$0x0];
	_ =	sdelay $0x4  }
0x127: {  	vm14 =	vge.s32 v6, v0;
	vm15 =	vlt.s32 v6, v1  }
0x128: {  	v6 =	vsub.s32 v6, v0;
	vm0 =	vmand vm14, vm15  }
0x129: {  	(xrf1) =	vunique.msk.u32 vm0, v6;
	_ =	sdelay $0xd  }
0x12a: {  	_, v7, vm0 =	vpop (xrf1)  }
0x12b: {  	p0 =	sne.s32 s0, $0xD2C0  }
.Ltmp9:
0x12c: {  	_ = 	snop;
	(pc) =	sbr.rel @p0 .LBB2_20-.Ltmp9, $4  }
0x12d: {  	_ = 	snop  }
0x12e: {  	s31 =	sadd.s32 $0x20, s0  }
0x12f: {  	v7 =	vor.u32 s31, v3  }
0x130: {  	s0 =	sadd.s32 $0x30, s0;
	s2 =	sadd.s32 $0x30, s2;
	[tilespmem:v6+s20+$0x0] =	vst.idx.msk vm0, v7  }
0x131: {  	_ =	swait.ge [sflag:s21], $0x1770  }
0x132: {  	[sflag:s21] =	ssyncset.done $0x0  }
0x133: {  	s0 =	simm.s32 $0xD2F0;
	s2 =	simm.s32 $0x17A0;
	[sflag:s21] =	ssyncadd.s32 $0xFFFFE890  }
.LBB2_22:
0x134: {  	v6 =	vld [tilespmem:s2+$0xFFFFFFE0];
	_ =	sdelay $0x4  }
0x135: {  	vm0 =	vge.s32 v6, v0;
	vm1 =	vlt.s32 v6, v1  }
0x136: {  	v6 =	vsub.s32 v6, v0;
	vm0 =	vmand vm0, vm1  }
0x137: {  	(xrf1) =	vunique.msk.u32 vm0, v6;
	_ =	sdelay $0xd  }
0x138: {  	_, v7, vm0 =	vpop (xrf1);
	_ =	sdelay $0x4  }
0x139: {  	v7 =	vor.u32 s0, v3  }
0x13a: {  	[tilespmem:v6+s20+$0x0] =	vst.idx.msk vm0, v7  }
0x13b: {  	v6 =	vld [tilespmem:s2+$0xFFFFFFF0];
	_ =	sdelay $0x4  }
0x13c: {  	vm12 =	vge.s32 v6, v0;
	vm13 =	vlt.s32 v6, v1  }
0x13d: {  	v6 =	vsub.s32 v6, v0;
	vm0 =	vmand vm12, vm13  }
0x13e: {  	(xrf1) =	vunique.msk.u32 vm0, v6;
	_ =	sdelay $0xd  }
0x13f: {  	_, v7, vm0 =	vpop (xrf1);
	_ =	sdelay $0x3  }
0x140: {  	s3 =	sadd.s32 $0x10, s0  }
0x141: {  	v7 =	vor.u32 s3, v3  }
0x142: {  	[tilespmem:v6+s20+$0x0] =	vst.idx.msk vm0, v7  }
0x143: {  	v6 =	vld [tilespmem:s2+$0x0];
	_ =	sdelay $0x4  }
0x144: {  	vm14 =	vge.s32 v6, v0;
	vm15 =	vlt.s32 v6, v1  }
0x145: {  	v6 =	vsub.s32 v6, v0;
	vm0 =	vmand vm14, vm15  }
0x146: {  	(xrf1) =	vunique.msk.u32 vm0, v6;
	_ =	sdelay $0xd  }
0x147: {  	_, v7, vm0 =	vpop (xrf1)  }
0x148: {  	p0 =	sne.s32 s0, $0xEA30  }
.Ltmp10:
0x149: {  	_ = 	snop;
	(pc) =	sbr.rel @p0 .LBB2_22-.Ltmp10, $4  }
0x14a: {  	_ = 	snop  }
0x14b: {  	s31 =	sadd.s32 $0x20, s0  }
0x14c: {  	v7 =	vor.u32 s31, v3  }
0x14d: {  	s0 =	sadd.s32 $0x30, s0;
	s2 =	sadd.s32 $0x30, s2;
	[tilespmem:v6+s20+$0x0] =	vst.idx.msk vm0, v7  }
0x14e: {  	s0 =	simm.s32 $0x0  }
0x14f: {  	[hbm4b:s15+s0] =	stream.linear.scatter [tilespmem:s20], [sflag:$0x7], $0x2260, $0x38;
	[tilespmem:$0x11980] =	vst v63  }
0x150: {  	_ =	swait.ge [sflag:s22], $0x2260  }
0x151: {  	[sflag:s22] =	ssyncset.done $0x0  }
0x152: {  	s30 =	simm.s32 $0x0;
	[sflag:s22] =	ssyncadd.s32 $0xFFFFDDA0  }
0x153: {  	v7 =	vld [tilespmem:s30+$0x2F00];
	_ =	sdelay $0x4  }
0x154: {  	vm0 =	vgt.s32 v7, $0xFFFFFFFF  }
0x155: {  	v8 =	vsel vm0, $0x1, v4  }
0x156: {  	(xrf0) =	vadd.scan.msk.s32 $0xffff, v8;
	_ =	sdelay $0x4  }
0x157: {  	v6 =	vimm.s32 $0x0;
	v8 =	vsel vm0, $0xFFFFFFFF, v4  }
0x158: {  	v8 =	vadd.s32 v8, v6;
	v9, _, _ =	vpop (xrf0)  }
0x159: {  	v8 =	vadd.s32 v9, v8;
	_ =	sdelay $0x3  }
0x15a: {  	v9 =	vmpcnt.ones.xlane vm0  }
0x15b: {  	[tilespmem:v8+s23+$0x0] =	vst.idx.msk vm0, v7;
	v7 =	vor.u32 s17, v3  }
0x15c: {  	s31 =	simm.s32 $0x10;
	v6 =	vadd.s32 v6, v9;
	[tilespmem:v8+s24+$0x0] =	vst.idx.msk vm0, v7  }
0x15d: {  	s2 =	simm.s32 $0x80;
	s0 =	smov.u32 s17;
	v8 =	vmov v6;
	v7 =	vld [tilespmem:s31+$0x2F00]  }
.LBB2_24:
0x15e: {  	p0 =	seq.s32 s2, $0x8940;
	_ =	sdelay $0x3  }
0x15f: {  	vm0 =	vgt.s32 v7, $0xFFFFFFFF  }
0x160: {  	v9 =	vsel vm0, $0x1, v4;
	v10 =	vmpcnt.ones.xlane vm0  }
0x161: {  	(xrf0) =	vadd.scan.msk.s32 $0xffff, v9  }
0x162: {  	v6 =	vadd.s32 v6, v10;
	_ =	sdelay $0x3  }
0x163: {  	v9 =	vsel vm0, $0xFFFFFFFF, v4  }
0x164: {  	v9 =	vadd.s32 v9, v8;
	v8 =	vmov v6;
	v10, _, _ =	vpop (xrf0)  }
0x165: {  	v9 =	vadd.s32 v10, v9;
	_ =	sdelay $0x2  }
.Ltmp11:
0x166: {  	(pc) =	sbr.rel @!p0 .LBB2_24-.Ltmp11, $4  }
0x167: {  	s0 =	sadd.s32 $0x10, s0  }
0x168: {  	v10 =	vor.u32 s0, v3;
	[tilespmem:v9+s23+$0x0] =	vst.idx.msk vm0, v7  }
0x169: {  	s3 =	sshra.s32 s2, $0x2;
	[tilespmem:v9+s24+$0x0] =	vst.idx.msk vm0, v10  }
0x16a: {  	s2 =	sadd.s32 $0x40, s2;
	v7 =	vld [tilespmem:s3+$0x2F00]  }
0x16b: {  	_ =	sdelay $0x3  }
0x16c: {  	vm0 =	vgt.s32 v7, $0xFFFFFFFF  }
0x16d: {  	v9 =	vsel vm0, $0x1, v4  }
0x16e: {  	(xrf0) =	vadd.scan.msk.s32 $0xffff, v9;
	_ =	sdelay $0x4  }
0x16f: {  	v48 =	vsel vm0, $0xFFFFFFFF, v4  }
0x170: {  	v8 =	vadd.s32 v48, v8;
	v49, _, _ =	vpop (xrf0)  }
0x171: {  	v8 =	vadd.s32 v49, v8;
	_ =	sdelay $0x1  }
0x172: {  	v50 =	vmpcnt.ones.xlane vm0;
	_ =	sdelay $0x1  }
0x173: {  	s0 =	sadd.s32 $0x10, s0;
	v6 =	vadd.s32 v6, v50  }
0x174: {  	v10 =	vor.u32 s0, v3;
	[tilespmem:v8+s23+$0x0] =	vst.idx.msk vm0, v7;
	v7 =	vadd.s32 v3, v6  }
0x175: {  	[tilespmem:v8+s24+$0x0] =	vst.idx.msk vm0, v10;
	v8 =	vor.u32 $0x10, v3  }
0x176: {  	v8 =	vadd.s32 v8, v6  }
0x177: {  	v51 =	vor.u32 $0x20, v3  }
0x178: {  	v9 =	vadd.s32 v51, v6  }
0x179: {  	v52 =	vor.u32 $0x44C00, v3;
	v11 =	vor.u32 $0x30, v3;
	[tilespmem:v7+s23+$0x0] =	vst.idx.msk $0xffff, v4  }
0x17a: {  	[tilespmem:v7+s24+$0x0] =	vst.idx.msk $0xffff, v52;
	v7 =	vadd.s32 v11, v6  }
0x17b: {  	v53 =	vor.u32 $0x44C10, v3;
	v54 =	vor.u32 $0x40, v3;
	[tilespmem:v8+s23+$0x0] =	vst.idx.msk $0xffff, v4  }
0x17c: {  	[tilespmem:v8+s24+$0x0] =	vst.idx.msk $0xffff, v53;
	v8 =	vadd.s32 v54, v6  }
0x17d: {  	v55 =	vor.u32 $0x44C20, v3;
	v56 =	vor.u32 $0x50, v3;
	[tilespmem:v9+s23+$0x0] =	vst.idx.msk $0xffff, v4  }
0x17e: {  	v57 =	vadd.s32 v56, v6;
	[tilespmem:v9+s24+$0x0] =	vst.idx.msk $0xffff, v55  }
0x17f: {  	v58 =	vor.u32 $0x44C30, v3;
	v59 =	vor.u32 $0x60, v3;
	[tilespmem:v7+s23+$0x0] =	vst.idx.msk $0xffff, v4  }
0x180: {  	[tilespmem:v7+s24+$0x0] =	vst.idx.msk $0xffff, v58;
	v7 =	vadd.s32 v59, v6  }
0x181: {  	v60 =	vor.u32 $0x44C40, v3;
	v61 =	vor.u32 $0x70, v3;
	[tilespmem:v8+s23+$0x0] =	vst.idx.msk $0xffff, v4  }
0x182: {  	[tilespmem:v8+s24+$0x0] =	vst.idx.msk $0xffff, v60;
	v8 =	vadd.s32 v61, v6  }
0x183: {  	v62 =	vor.u32 $0x44C50, v3;
	[tilespmem:v57+s23+$0x0] =	vst.idx.msk $0xffff, v4  }
0x184: {  	[tilespmem:v57+s24+$0x0] =	vst.idx.msk $0xffff, v62  }
0x185: {  	v63 =	vor.u32 $0x44C60, v3;
	[tilespmem:v7+s23+$0x0] =	vst.idx.msk $0xffff, v4  }
0x186: {  	s2 =	simm.s32 $0x0;
	[tilespmem:v7+s24+$0x0] =	vst.idx.msk $0xffff, v63  }
0x187: {  	vm10 =	vgt.s32 v6, s2;
	v7 =	vor.u32 $0x44C70, v3;
	[tilespmem:v8+s23+$0x0] =	vst.idx.msk $0xffff, v4  }
0x188: {  	[tilespmem:v8+s24+$0x0] =	vst.idx.msk $0xffff, v7;
	v7 =	vsel vm10, $0x3F800000, v5  }
0x189: {  	s8 =	simm.s32 $0x80;
	(xrf0) =	vmax.scan.msk.f32 $0xffff, v7  }
0x18a: {  	vm11 =	vgt.s32 v6, s8  }
0x18b: {  	v7 =	vsel vm11, $0x3F800000, v5  }
0x18c: {  	(xrf0) =	vmax.scan.msk.f32 $0xffff, v7;
	_ =	sdelay $0x2  }
0x18d: {  	v7, _, _ =	vpop (xrf0)  }
0x18e: {  	(v2sf) =	vpush v7, $0xF  }
0x18f: {  	s9 =	simm.s32 $0x100  }
0x190: {  	vm12 =	vgt.s32 v6, s9;
	v7, _, _ =	vpop (xrf0)  }
0x191: {  	(v2sf) =	vpush v7, $0xF;
	v7 =	vsel vm12, $0x3F800000, v5  }
0x192: {  	(xrf0) =	vmax.scan.msk.f32 $0xffff, v7  }
0x193: {  	s10 =	simm.s32 $0x180  }
0x194: {  	vm13 =	vgt.s32 v6, s10  }
0x195: {  	v7 =	vsel vm13, $0x3F800000, v5;
	_ =	sdelay $0x2  }
0x196: {  	(xrf0) =	vmax.scan.msk.f32 $0xffff, v7;
	v7, _, _ =	vpop (xrf0)  }
0x197: {  	(v2sf) =	vpush v7, $0xF;
	_ =	sdelay $0x3  }
0x198: {  	s11 =	spop (v2sf)  }
0x199: {  	p3 =	sgt.f32 s11, $0.0e+00  }
0x19a: {  	s28 =	simm.s32 $0x400;
	s26 =	simm.s32 $0x800;
	s13 =	simm.s32 $0x200;
	v7, _, _ =	vpop (xrf0)  }
0x19b: {  	(v2sf) =	vpush v7, $0xF;
	s12 =	spop (v2sf);
	p1 =	por @p3 $0x1, $0x1;
	p0 =	por p3, p3  }
0x19c: {  	s14 =	simm.s32 $0x280;
	p2 =	por p1, !p0;
	p1 =	sgt.f32 s12, $0.0e+00  }
0x19d: {  	s6 =	simm.s32 @p3 $0x9980;
	s29 =	simm.s32 @p0 $0x80;
	s0 =	simm.s32 @!p2 $0x5  }
0x19e: {  	vm14 =	vgt.s32 v6, s13;
	s2 =	simm.s32 @p0 $0x5180;
	p3 =	por @p1 $0x1, $0x1;
	_ =	swait.ge @!p2 [sflag:s0], $0x4000  }
0x19f: {  	v7 =	vsel vm14, $0x3F800000, v5;
	s7 =	simm.s32 @p0 $0x3;
	p3 =	por p3, !p1;
	[sflag:s0] =	ssyncset.done @!p2 $0x0  }
0x1a0: {  	s8 =	simm.s32 @p0 $0x7580;
	(xrf0) =	vmax.scan.msk.f32 $0xffff, v7;
	s3 =	simm.s32 @!p3 $0x6;
	[sflag:s0] =	ssyncadd.s32 @!p2 $0xFFFFC000  }
0x1a1: {  	[tilespmem:s6], [sflag:$0x3] =	stream.indirect.gather @p0 [hbm4b:s1+s29], $0x80, s2, s29, $0xb8;
	[tilespmem:$0x11980] =	vst v63  }
0x1a2: {  	vm15 =	vgt.s32 v6, s14;
	s30 =	simm.s32 @p1 $0xD980;
	s31 =	simm.s32 @p1 $0x80;
	_ =	swait.ge @!p3 [sflag:s3], $0x4000  }
0x1a3: {  	s10 =	simm.s32 @p1 $0x4;
	v7 =	vsel vm15, $0x3F800000, v5;
	[sflag:s3] =	ssyncset.done @!p3 $0x0;
	s9 =	spop (v2sf)  }
0x1a4: {  	s2 =	simm.s32 @p1 $0x5200;
	[sflag:s3] =	ssyncadd.s32 @!p3 $0xFFFFC000;
	p2 =	sgt.f32 s9, $0.0e+00  }
0x1a5: {  	[tilespmem:s30], [sflag:$0x4] =	stream.indirect.gather @p1 [hbm4b:s1+s31], $0x80, s2, s31, $0xb8;
	[tilespmem:$0x11980] =	vst v63  }
0x1a6: {  	s0 =	simm.s32 @p1 $0x7600;
	(xrf0) =	vmax.scan.msk.f32 $0xffff, v7;
	s3 =	simm.s32 $0x380;
	s2 =	simm.s32 $0xC00;
	v7, _, _ =	vpop (xrf0)  }
.LBB2_26:
0x1a7: {  	p3 =	seq.s32 @p2 s28, $0x0  }
0x1a8: {  	(v2sf) =	vpush v7, $0xF;
	s11 =	simm.s32 @p2 $0x9980;
	s9 =	smov.u32 s2;
	p4 =	por p1, p1  }
0x1a9: {  	p5 =	por p0, p0;
	_ =	swait.ge @p0 [sflag:s7], $0x4000;
	p0 =	por p2, p2  }
0x1aa: {  	p2 =	por p3, !p0;
	s12 =	spop (v2sf);
	[sflag:s7] =	ssyncset.done @p5 $0x0  }
0x1ab: {  	s13 =	simm.s32 @!p2 $0x5;
	p1 =	sgt.f32 s12, $0.0e+00;
	[sflag:s7] =	ssyncadd.s32 @p5 $0xFFFFC000  }
0x1ac: {  	v7, _, _ =	vpop (xrf0);
	[hbm4b:s4+s29] =	stream.indirect.scatter @p5 [tilespmem:s6], [sflag:$0x5], $0x80, s8, s29, $0xb8;
	[tilespmem:$0x11980] =	vst v63  }
0x1ad: {  	(v2sf) =	vpush v7, $0xF  }
0x1ae: {  	s29 =	simm.s32 @p0 $0x80;
	p3 =	seq.s32 @p1 s28, $0x0;
	_ =	swait.ge @p4 [sflag:s10], $0x4000  }
0x1af: {  	s6 =	sadd.s32 $0xFFFFFF80, s3;
	s8 =	sshra.s32 @p0 s28, $0x2;
	[sflag:s10] =	ssyncset.done @p4 $0x0  }
0x1b0: {  	s12 =	sadd.s32 @p0 $0x5180, s8;
	p3 =	por p3, !p1;
	[sflag:s10] =	ssyncadd.s32 @p4 $0xFFFFC000  }
0x1b1: {  	[hbm4b:s4+s31] =	stream.indirect.scatter @p4 [tilespmem:s30], [sflag:$0x6], $0x80, s0, s31, $0xb8;
	[tilespmem:$0x11980] =	vst v63  }
0x1b2: {  	s10 =	simm.s32 @!p3 $0x6;
	s0 =	sshra.s32 @p1 s28, $0x2;
	_ =	swait.ge @!p2 [sflag:s13], $0x4000  }
0x1b3: {  	vm0 =	vgt.s32 v6, s6;
	s30 =	simm.s32 @p1 $0xD980;
	s14 =	sadd.s32 @p1 $0x5200, s0;
	[sflag:s13] =	ssyncset.done @!p2 $0x0  }
0x1b4: {  	s7 =	simm.s32 @p0 $0x3;
	v7 =	vsel vm0, $0x3F800000, v5;
	s31 =	simm.s32 @p1 $0x80;
	[sflag:s13] =	ssyncadd.s32 @!p2 $0xFFFFC000  }
0x1b5: {  	s2 =	sadd.s32 $0x400, s2;
	s8 =	sadd.s32 @p0 $0x7580, s8;
	(xrf0) =	vmax.scan.msk.f32 $0xffff, v7  }
0x1b6: {  	[tilespmem:s11], [sflag:$0x3] =	stream.indirect.gather @p0 [hbm4b:s1+s29], $0x80, s12, s29, $0xb8;
	[tilespmem:$0x11980] =	vst v63  }
0x1b7: {  	p4 =	sne.s32 s2, $0x8C00;
	s0 =	sadd.s32 @p1 $0x7600, s0;
	_ =	swait.ge @!p3 [sflag:s10], $0x4000  }
.Ltmp12:
0x1b8: {  	vm0 =	vgt.s32 v6, s3;
	[sflag:s10] =	ssyncset.done @!p3 $0x0;
	(pc) =	sbr.rel @p4 .LBB2_26-.Ltmp12, $4  }
0x1b9: {  	s6 =	smov.u32 s11;
	v7 =	vsel vm0, $0x3F800000, v5;
	[sflag:s10] =	ssyncadd.s32 @!p3 $0xFFFFC000  }
0x1ba: {  	s28 =	smov.u32 s26;
	s26 =	smov.u32 s9;
	(xrf0) =	vmax.scan.msk.f32 $0xffff, v7;
	s10 =	spop (v2sf)  }
0x1bb: {  	s3 =	sadd.s32 $0x100, s3;
	p2 =	sgt.f32 s10, $0.0e+00;
	s10 =	simm.s32 @p1 $0x4  }
0x1bc: {  	v7, _, _ =	vpop (xrf0);
	[tilespmem:s30], [sflag:$0x4] =	stream.indirect.gather @p1 [hbm4b:s1+s31], $0x80, s14, s31, $0xb8;
	[tilespmem:$0x11980] =	vst v63  }
0x1bd: {  	(v2sf) =	vpush v7, $0xF  }
0x1be: {  	p3 =	por p0, p0;
	_ =	swait.ge @p0 [sflag:s7], $0x4000  }
0x1bf: {  	p5 =	seq.s32 @p2 s28, $0x0;
	[sflag:s7] =	ssyncset.done @p3 $0x0  }
0x1c0: {  	p4 =	por p1, p1;
	s2 =	spop (v2sf);
	[sflag:s7] =	ssyncadd.s32 @p3 $0xFFFFC000;
	v7, _, _ =	vpop (xrf0)  }
0x1c1: {  	[hbm4b:s4+s29] =	stream.indirect.scatter @p3 [tilespmem:s6], [sflag:$0x5], $0x80, s8, s29, $0xb8;
	(v2sf) =	vpush v7, $0xF;
	[tilespmem:$0x11980] =	vst v63  }
0x1c2: {  	s3 =	simm.s32 @p2 $0x9980;
	p0 =	por p2, p2;
	_ =	swait.ge @p4 [sflag:s10], $0x4000  }
0x1c3: {  	s11 =	simm.s32 @p0 $0x3;
	p3 =	por p5, !p0;
	[sflag:s10] =	ssyncset.done @p4 $0x0  }
0x1c4: {  	p1 =	sgt.f32 s2, $0.0e+00;
	s6 =	simm.s32 @!p3 $0x5;
	[sflag:s10] =	ssyncadd.s32 @p4 $0xFFFFC000  }
0x1c5: {  	[hbm4b:s4+s31] =	stream.indirect.scatter @p4 [tilespmem:s30], [sflag:$0x6], $0x80, s0, s31, $0xb8;
	[tilespmem:$0x11980] =	vst v63  }
0x1c6: {  	s2 =	simm.s32 @p0 $0x80;
	p2 =	seq.s32 @p1 s28, $0x0;
	_ =	swait.ge @!p3 [sflag:s6], $0x4000  }
0x1c7: {  	p2 =	por p2, !p1;
	s0 =	sshra.s32 @p0 s28, $0x2;
	[sflag:s6] =	ssyncset.done @!p3 $0x0  }
0x1c8: {  	s8 =	simm.s32 @!p2 $0x6;
	s7 =	sadd.s32 @p0 $0x5180, s0;
	[sflag:s6] =	ssyncadd.s32 @!p3 $0xFFFFC000  }
0x1c9: {  	[tilespmem:s3], [sflag:$0x3] =	stream.indirect.gather @p0 [hbm4b:s1+s2], $0x80, s7, s2, $0xb8;
	[tilespmem:$0x11980] =	vst v63  }
0x1ca: {  	s9 =	sshra.s32 @p1 s28, $0x2;
	s10 =	simm.s32 @p1 $0x80;
	_ =	swait.ge @!p2 [sflag:s8], $0x4000  }
0x1cb: {  	s0 =	sadd.s32 @p0 $0x7580, s0;
	s6 =	sadd.s32 @p1 $0x5200, s9;
	[sflag:s8] =	ssyncset.done @!p2 $0x0  }
0x1cc: {  	s7 =	simm.s32 @p1 $0xD980;
	[sflag:s8] =	ssyncadd.s32 @!p2 $0xFFFFC000;
	s28 =	spop (v2sf)  }
0x1cd: {  	[tilespmem:s7], [sflag:$0x4] =	stream.indirect.gather @p1 [hbm4b:s1+s10], $0x80, s6, s10, $0xb8;
	[tilespmem:$0x11980] =	vst v63  }
0x1ce: {  	p3 =	por p1, p1;
	_ =	swait.ge @p0 [sflag:s11], $0x4000;
	p0 =	por p0, p0  }
0x1cf: {  	s8 =	simm.s32 @p1 $0x4;
	s6 =	sadd.s32 @p1 $0x7600, s9;
	[sflag:s11] =	ssyncset.done @p0 $0x0  }
0x1d0: {  	p2 =	sgt.f32 s28, $0.0e+00;
	s29 =	spop (v2sf);
	[sflag:s11] =	ssyncadd.s32 @p0 $0xFFFFC000  }
0x1d1: {  	[hbm4b:s4+s2] =	stream.indirect.scatter @p0 [tilespmem:s3], [sflag:$0x5], $0x80, s0, s2, $0xb8;
	[tilespmem:$0x11980] =	vst v63  }
0x1d2: {  	p1 =	por p2, p2;
	p0 =	seq.s32 @p2 s26, $0x0;
	_ =	swait.ge @p3 [sflag:s8], $0x4000  }
0x1d3: {  	s0 =	simm.s32 @p2 $0x9980;
	p2 =	por p0, !p1;
	[sflag:s8] =	ssyncset.done @p3 $0x0  }
0x1d4: {  	p0 =	sgt.f32 s29, $0.0e+00;
	s2 =	simm.s32 @!p2 $0x5;
	[sflag:s8] =	ssyncadd.s32 @p3 $0xFFFFC000  }
0x1d5: {  	[hbm4b:s4+s10] =	stream.indirect.scatter @p3 [tilespmem:s7], [sflag:$0x6], $0x80, s6, s10, $0xb8;
	[tilespmem:$0x11980] =	vst v63  }
0x1d6: {  	s3 =	simm.s32 @p1 $0x80;
	p3 =	seq.s32 @p0 s26, $0x0;
	_ =	swait.ge @!p2 [sflag:s2], $0x4000  }
0x1d7: {  	s6 =	sshra.s32 @p1 s26, $0x2;
	p3 =	por p3, !p0;
	[sflag:s2] =	ssyncset.done @!p2 $0x0  }
0x1d8: {  	s7 =	sadd.s32 @p1 $0x5180, s6;
	s8 =	simm.s32 @!p3 $0x6;
	[sflag:s2] =	ssyncadd.s32 @!p2 $0xFFFFC000  }
0x1d9: {  	[tilespmem:s0], [sflag:$0x3] =	stream.indirect.gather @p1 [hbm4b:s1+s3], $0x80, s7, s3, $0xb8;
	[tilespmem:$0x11980] =	vst v63  }
0x1da: {  	s11 =	simm.s32 @p1 $0x3;
	_ =	swait.ge @!p3 [sflag:s8], $0x4000  }
0x1db: {  	s9 =	simm.s32 @p0 $0xD980;
	s2 =	sshra.s32 @p0 s26, $0x2;
	[sflag:s8] =	ssyncset.done @!p3 $0x0  }
0x1dc: {  	s10 =	simm.s32 @p0 $0x80;
	s7 =	sadd.s32 @p0 $0x5200, s2;
	[sflag:s8] =	ssyncadd.s32 @!p3 $0xFFFFC000  }
0x1dd: {  	[tilespmem:s9], [sflag:$0x4] =	stream.indirect.gather @p0 [hbm4b:s1+s10], $0x80, s7, s10, $0xb8;
	[tilespmem:$0x11980] =	vst v63  }
0x1de: {  	p2 =	por p1, p1;
	_ =	swait.ge @p1 [sflag:s11], $0x4000  }
0x1df: {  	s6 =	sadd.s32 @p1 $0x7580, s6;
	[sflag:s11] =	ssyncset.done @p2 $0x0  }
0x1e0: {  	s7 =	simm.s32 @p0 $0x4;
	p1 =	por p0, p0;
	[sflag:s11] =	ssyncadd.s32 @p2 $0xFFFFC000  }
0x1e1: {  	vm0 =	vgt.s32 v6, $0x0;
	[hbm4b:s4+s3] =	stream.indirect.scatter @p2 [tilespmem:s0], [sflag:$0x5], $0x80, s6, s3, $0xb8;
	[tilespmem:$0x11980] =	vst v63  }
0x1e2: {  	v7 =	vsel vm0, $0x3F800000, v5;
	_ =	swait.ge @p1 [sflag:s7], $0x4000  }
0x1e3: {  	(xrf0) =	vmax.scan.msk.f32 $0xffff, v7;
	_ =	sdelay $0x5  }
0x1e4: {  	v7, _, _ =	vpop (xrf0)  }
0x1e5: {  	(v2sf) =	vpush v7, $0xF;
	_ =	sdelay $0xe  }
0x1e6: {  	[sflag:s7] =	ssyncset.done @p1 $0x0;
	s30 =	spop (v2sf)  }
0x1e7: {  	s2 =	sadd.s32 @p0 $0x7600, s2;
	[sflag:s7] =	ssyncadd.s32 @p1 $0xFFFFC000;
	p0 =	sgt.f32 s30, $0.0e+00  }
0x1e8: {  	[hbm4b:s4+s10] =	stream.indirect.scatter @p1 [tilespmem:s9], [sflag:$0x6], $0x80, s2, s10, $0xb8;
	[tilespmem:$0x11980] =	vst v63  }
0x1e9: {  	vm15 =	vgt.s32 v6, $0x80;
	s0 =	simm.s32 @p0 $0x5  }
0x1ea: {  	v6 =	vsel vm15, $0x3F800000, v5;
	_ =	swait.ge @p0 [sflag:s0], $0x4000  }
0x1eb: {  	(xrf0) =	vmax.scan.msk.f32 $0xffff, v6;
	_ =	sdelay $0x5  }
0x1ec: {  	v6, _, _ =	vpop (xrf0)  }
0x1ed: {  	(v2sf) =	vpush v6, $0xF;
	_ =	sdelay $0xe  }
0x1ee: {  	s25 =	sadd.s32 $0x1, s25;
	[sflag:s0] =	ssyncset.done @p0 $0x0;
	s31 =	spop (v2sf)  }
0x1ef: {  	[sflag:s0] =	ssyncadd.s32 @p0 $0xFFFFC000;
	p0 =	sne.s32 s25, s16;
	p1 =	sgt.f32 s31, $0.0e+00  }
.Ltmp13:
0x1f0: {  	_ = 	snop;
	(pc) =	sbr.rel @p0 .LBB2_1-.Ltmp13, $4  }
0x1f1: {  	s0 =	simm.s32 @p1 $0x6  }
0x1f2: {  	_ =	swait.ge @p1 [sflag:s0], $0x4000  }
0x1f3: {  	[sflag:s0] =	ssyncset.done @p1 $0x0  }
0x1f4: {  	[sflag:s0] =	ssyncadd.s32 @p1 $0xFFFFC000  }
0x1f5: {  	_ =	sfence.sel $0x180000  }
0x1f6: {  	[bflag:$0x0] =	sbarrier.arrive $0xFFFF  }
0x1f7: {  	_ =	strace $0x90000047  }
0x1f8: {  	s0 =	stileid.u32;
	[bflag:$0x2] =	sbarrier.arrive $0xFFFF  }
0x1f9: {  	p0 =	sne.s32 s0, $0x0;
	s0 =	rddreg [dreg:$0x4]  }
0x1fa: {  	s0 =	sadd.s32 @!p0 $0x100000, s0  }
0x1fb: {  	[sflag:s0] =	ssyncadd.tile.s32 @!p0 $0x1;
	_ =	shalt  }
.Lfunc_end2:
_tile_overlayer_lowered:
.L_overlay_start_2:
0x1fc: {  	(tag) =	ssettag $0x2  }
0x1fd: {  	s0 =	rddreg [dreg:$0x0];
	s2 =	stileid.u32  }
0x1fe: {  	s1 =	rddreg [dreg:$0x1];
	p0 =	sne.s32 s2, $0x0  }
0x1ff: {  	s3 =	rddreg [dreg:$0x2];
	[bflag:$0x3] =	sbarrier.arrive $0xFFFF;
	s2 =	simm.s32 @!p0 $0x1C07  }
0x200: {  	[timem:s3], [sflag:s2] =	dma.local @!p0 [hbm:s0], s1  }
0x201: {  	s0 =	simm.s32 @!p0 $0x7  }
0x202: {  	_ =	swait.ge @!p0 [sflag:s0], s1  }
0x203: {  	s1 =	ssub.s32 @!p0 $0x0, s1;
	[sflag:s0] =	ssyncset.done @!p0 $0x0  }
0x204: {  	[sflag:s0] =	ssyncadd.s32 @!p0 s1  }
0x205: {  	[bflag:$0x3] =	sbarrier.arrive $0xFFFF  }
0x206: {  	_ =	shalt  }

</sc_bundles>
